<compile_context>
chip_gen: v7x
topology: tpu7x:2x2x1
jax: 0.10.2.dev20260603
libtpu: 0.0.44.dev20260713+nightly
codegen_flags: <defaults>
</compile_context>

<pallas_src>
import functools

import jax
import jax.numpy as jnp
from jax import lax
from jax.experimental import pallas as pl
from jax.experimental.pallas import tpu as pltpu
from jax.experimental.pallas import tpu_sc as plsc

N = 10000
E = 320000
IN = 128
H = 8
OUT = 16
D = H * OUT
HID = 128
HP = 16
MW = D + HP
NSUB = 16
NPAD = 10112
ROWS_PER_SUB = NPAD // NSUB
CHUNK = 112
ITERS = 180
NCHUNKS = ITERS * NSUB
EP = NCHUNKS * CHUNK
EPAD = EP - E



def _front_body(h_ref, w_ref, b_ref, featx_ref, erpad_ref, cpad_ref):
    W = w_ref[0]
    B = b_ref[0]
    feat = jnp.dot(h_ref[...], W, preferred_element_type=jnp.float32)
    eler = jnp.dot(feat, B, preferred_element_type=jnp.float32)
    elpad = eler[:, :HP]
    erpad = eler[:, HP:]
    featx_ref[0] = jnp.concatenate([feat, elpad], axis=1)
    erpad_ref[0] = erpad
    cpad_ref[0, 0] = jnp.max(elpad, axis=0) + jnp.max(erpad, axis=0)


def _front(h, Wst, Bst):
    return pl.pallas_call(
        _front_body,
        grid=(2,),
        in_specs=[
            pl.BlockSpec((N, IN), lambda m: (0, 0)),
            pl.BlockSpec((1, IN, D), lambda m: (m, 0, 0)),
            pl.BlockSpec((1, D, 2 * HP), lambda m: (m, 0, 0)),
        ],
        out_specs=[
            pl.BlockSpec((1, N, MW), lambda m: (m, 0, 0)),
            pl.BlockSpec((1, N, HP), lambda m: (m, 0, 0)),
            pl.BlockSpec((1, 1, HP), lambda m: (m, 0, 0)),
        ],
        out_shape=[
            jax.ShapeDtypeStruct((2, N, MW), jnp.float32),
            jax.ShapeDtypeStruct((2, N, HP), jnp.float32),
            jax.ShapeDtypeStruct((2, 1, HP), jnp.float32),
        ],
    )(h, Wst, Bst)



def _lane_bcast(v, h):
    idx = jnp.full((16,), h, dtype=jnp.int32)
    return lax.gather(
        v, idx[:, None],
        dimension_numbers=lax.GatherDimensionNumbers(
            offset_dims=(), collapsed_slice_dims=(0,), start_index_map=(0,)),
        slice_sizes=(1,),
        mode=lax.GatherScatterMode.PROMISE_IN_BOUNDS)


def _make_sc_kernel():
    mesh = plsc.VectorSubcoreMesh(core_axis_name="c", subcore_axis_name="s")

    idx_t = pltpu.VMEM((CHUNK,), jnp.int32)
    rows_t = pltpu.VMEM((CHUNK, MW), jnp.float32)
    er_t = pltpu.VMEM((CHUNK, HP), jnp.float32)

    PAIRS = ITERS // 2

    @functools.partial(
        pl.kernel,
        mesh=mesh,
        compiler_params=pltpu.CompilerParams(use_tc_tiling_on_sc=False),
        out_type=jax.ShapeDtypeStruct((2 * NPAD, MW), jnp.float32),
        scratch_types=[
            [idx_t] * 2,
            [idx_t] * 2,
            [idx_t] * 2,
            [rows_t] * 2,
            [er_t] * 2,
            pltpu.VMEM((HP,), jnp.float32),
            pltpu.VMEM_SHARED((NPAD, MW), jnp.float32),
            [pltpu.SemaphoreType.DMA] * 2,
            [pltpu.SemaphoreType.DMA] * 2,
            [pltpu.SemaphoreType.DMA] * 2,
        ],
    )
    def sc_edges(featx_hbm, erpad_hbm, srcg_hbm, dstg_hbm, cpad_hbm, zeros_hbm,
                 out_hbm, srcgv, dstgv, dstsc, rowsv, erv,
                 cv, acc, isem, gsem, ssem):
        c = lax.axis_index("c")
        s = lax.axis_index("s")
        toff = c * N
        aoff = c * NPAD

        pltpu.sync_copy(zeros_hbm.at[pl.ds(s * ROWS_PER_SUB, ROWS_PER_SUB)],
                        acc.at[pl.ds(s * ROWS_PER_SUB, ROWS_PER_SUB)])
        pltpu.sync_copy(cpad_hbm.at[pl.ds(c * HP, HP)], cv)
        plsc.subcore_barrier()
        creg = cv[...]

        def fetch_idx(b, it):
            eb = c * EP + (s + it * NSUB) * CHUNK
            pltpu.async_copy(srcg_hbm.at[pl.ds(eb, CHUNK)], srcgv[b], isem[b])
            pltpu.async_copy(dstg_hbm.at[pl.ds(eb, CHUNK)], dstgv[b], isem[b])

        def wait_idx(b):
            pltpu.make_async_copy(srcg_hbm.at[pl.ds(0, CHUNK)], srcgv[b],
                                  isem[b]).wait()
            pltpu.make_async_copy(dstg_hbm.at[pl.ds(0, CHUNK)], dstgv[b],
                                  isem[b]).wait()

        def issue_gathers(b):
            pltpu.async_copy(featx_hbm.at[srcgv[b]], rowsv[b], gsem[b])
            pltpu.async_copy(erpad_hbm.at[dstgv[b]], erv[b], gsem[b])

        def wait_gathers(b):
            pltpu.make_async_copy(featx_hbm.at[srcgv[b]], rowsv[b],
                                  gsem[b]).wait()
            pltpu.make_async_copy(erpad_hbm.at[dstgv[b]], erv[b],
                                  gsem[b]).wait()

        def wait_scatter(b):
            pltpu.make_async_copy(rowsv[b], acc.at[dstsc[b]], ssem[b]).wait()

        fetch_idx(0, 0)
        fetch_idx(1, 1)
        wait_idx(0)
        issue_gathers(0)

        @pl.loop(0, PAIRS)
        def _(p):
            for b in range(2):
                it = 2 * p + b
                ob = 1 - b

                def stage():
                    wait_scatter(ob)
                    wait_idx(ob)
                    issue_gathers(ob)
                def stage0():
                    wait_idx(ob)
                    issue_gathers(ob)
                if b == 0:
                    pl.when(p >= 1)(stage)
                    pl.when(p == 0)(stage0)
                else:
                    pl.when(p < PAIRS - 1)(stage)

                wait_gathers(b)

                @plsc.parallel_loop(0, CHUNK, step=16, unroll=2)
                def _(i):
                    dstsc[b][pl.ds(i, 16)] = dstgv[b][pl.ds(i, 16)] - toff

                @plsc.parallel_loop(0, CHUNK, unroll=4)
                def _(e):
                    x = rowsv[b][e, pl.ds(D, HP)] + erv[b][e, :]
                    ex = jnp.exp(jnp.maximum(x, 0.2 * x) - creg)
                    rowsv[b][e, pl.ds(D, HP)] = ex
                    for hh in range(H):
                        bh = _lane_bcast(ex, hh)
                        rowsv[b][e, pl.ds(hh * OUT, OUT)] = (
                            rowsv[b][e, pl.ds(hh * OUT, OUT)] * bh)

                pltpu.async_copy(rowsv[b], acc.at[dstsc[b]], ssem[b],
                                 add=True)

                @pl.when(p < PAIRS - 1)
                def _():
                    fetch_idx(b, it + 2)

        for b in range(2):
            wait_scatter(b)
        plsc.subcore_barrier()
        pltpu.sync_copy(acc.at[pl.ds(s * ROWS_PER_SUB, ROWS_PER_SUB)],
                        out_hbm.at[pl.ds(aoff + s * ROWS_PER_SUB, ROWS_PER_SUB)])

    return sc_edges


_sc_edges = _make_sc_kernel()



EB = 2000
NB = N // EB


def _e1_body(acc_ref, r_ref, ws_ref, bs_ref, q_ref, z_ref, wsum_ref):
    i = pl.program_id(1)
    a = acc_ref[0]
    num = a[:, :D]
    den = a[:, D:]
    dexp = jnp.dot(den, r_ref[...], preferred_element_type=jnp.float32)
    z = num / jnp.maximum(dexp, 1e-9)
    z = jnp.where(z > 0, z, jnp.exp(jnp.minimum(z, 0.0)) - 1.0)
    z_ref[0] = z
    w = jnp.tanh(jnp.dot(z, ws_ref[...], preferred_element_type=jnp.float32)
                 + bs_ref[...])
    wv = jnp.dot(w, q_ref[...], preferred_element_type=jnp.float32)

    tot = jnp.sum(wv).reshape(1, 1, 1)

    @pl.when(i == 0)
    def _():
        wsum_ref[...] = tot

    @pl.when(i > 0)
    def _():
        wsum_ref[...] = wsum_ref[...] + tot


def _e1(acc3, Rmat, Ws, bs, q):
    return pl.pallas_call(
        _e1_body,
        grid=(2, NB),
        in_specs=[
            pl.BlockSpec((1, EB, MW), lambda m, i: (m, i, 0)),
            pl.BlockSpec((HP, D), lambda m, i: (0, 0)),
            pl.BlockSpec((D, HID), lambda m, i: (0, 0)),
            pl.BlockSpec((1, HID), lambda m, i: (0, 0)),
            pl.BlockSpec((HID, 1), lambda m, i: (0, 0)),
        ],
        out_specs=[
            pl.BlockSpec((1, EB, D), lambda m, i: (m, i, 0)),
            pl.BlockSpec((1, 1, 1), lambda m, i: (m, 0, 0)),
        ],
        out_shape=[
            jax.ShapeDtypeStruct((2, N, D), jnp.float32),
            jax.ShapeDtypeStruct((2, 1, 1), jnp.float32),
        ],
    )(acc3, Rmat, Ws, bs, q)


def _e2_body(z0_ref, z1_ref, wsum_ref, out_ref):
    w = wsum_ref[...] * (1.0 / N)
    m = jnp.max(w)
    ew = jnp.exp(w - m)
    b = ew / jnp.sum(ew)
    out_ref[...] = b[0, 0, 0] * z0_ref[0] + b[1, 0, 0] * z1_ref[0]


def _e2(z3, wsum):
    return pl.pallas_call(
        _e2_body,
        grid=(NB,),
        in_specs=[
            pl.BlockSpec((1, EB, D), lambda i: (0, i, 0)),
            pl.BlockSpec((1, EB, D), lambda i: (1, i, 0)),
            pl.BlockSpec((2, 1, 1), lambda i: (0, 0, 0)),
        ],
        out_specs=pl.BlockSpec((EB, D), lambda i: (i, 0)),
        out_shape=jax.ShapeDtypeStruct((N, D), jnp.float32),
    )(z3, z3, wsum)



def _pack_attn(al, ar):
    ey = jnp.concatenate([jnp.eye(H, dtype=jnp.float32),
                          jnp.zeros((H, HP - H), jnp.float32)], axis=1)
    Al = (al[:, :, None] * ey[:, None, :]).reshape(D, HP)
    Ar = (ar[:, :, None] * ey[:, None, :]).reshape(D, HP)
    return jnp.concatenate([Al, Ar], axis=1)


def kernel(h, edge_index_mp0, edge_index_mp1, W0, al0, ar0, W1, al1, ar1,
           Ws, bs, q):
    Wst = jnp.stack([W0, W1])
    Bst = jnp.stack([_pack_attn(al0, ar0), _pack_attn(al1, ar1)])
    featx3, erpad3, cpad2 = _front(h, Wst, Bst)

    pad_src = jnp.zeros((EPAD,), jnp.int32)
    pad_dst = (N + (jnp.arange(EPAD, dtype=jnp.int32) % (NPAD - N)))
    src2 = jnp.concatenate([edge_index_mp0[0], pad_src,
                            edge_index_mp1[0] + N, pad_src + N])
    dst2 = jnp.concatenate([edge_index_mp0[1], pad_dst,
                            edge_index_mp1[1] + N, pad_dst + N])
    zeros = jnp.zeros((NPAD, MW), jnp.float32)
    erpad_big = jnp.concatenate(
        [erpad3.reshape(2 * N, HP),
         jnp.zeros((2 * (NPAD - N), HP), jnp.float32)])

    accout = _sc_edges(featx3.reshape(2 * N, MW), erpad_big,
                       src2, dst2, cpad2.reshape(2 * HP), zeros)

    Rmat = (jnp.eye(HP, H, dtype=jnp.float32)[:, :, None]
            * jnp.ones((1, 1, OUT), jnp.float32)).reshape(HP, D)
    z3, wsum = _e1(accout.reshape(2, NPAD, MW), Rmat, Ws,
                   bs.reshape(1, HID), q.reshape(HID, 1))
    return _e2(z3, wsum)

# --- scband reference (transcript-rebuilt; emitter-appended) ---
"""Pipeline reference for scband-hanlayer-15229954032040 (READ-ONLY COPY).

The authoritative reference and input builder live on the scoring server;
editing this copy changes nothing except your own understanding.
"""

import jax, jax.numpy as jnp
import numpy as np

N = 10000
E = 320000
IN = 128
H = 8
OUT = 16
D = H * OUT
HID = 128


def setup_inputs(seed: int = 0):
    key = jax.random.key(seed)
    ks = jax.random.split(key, 12)
    h = jax.random.normal(ks[0], (N, IN), dtype=jnp.float32)
    edge_index_mp0 = jax.random.randint(ks[1], (2, E), 0, N, dtype=jnp.int32)
    edge_index_mp1 = jax.random.randint(ks[2], (2, E), 0, N, dtype=jnp.int32)
    s = 0.1
    W0 = jax.random.normal(ks[3], (IN, D), dtype=jnp.float32) * s
    al0 = jax.random.normal(ks[4], (H, OUT), dtype=jnp.float32) * s
    ar0 = jax.random.normal(ks[5], (H, OUT), dtype=jnp.float32) * s
    W1 = jax.random.normal(ks[6], (IN, D), dtype=jnp.float32) * s
    al1 = jax.random.normal(ks[7], (H, OUT), dtype=jnp.float32) * s
    ar1 = jax.random.normal(ks[8], (H, OUT), dtype=jnp.float32) * s
    Ws = jax.random.normal(ks[9], (D, HID), dtype=jnp.float32) * s
    bs = jnp.zeros((HID,), dtype=jnp.float32)
    q = jax.random.normal(ks[10], (HID,), dtype=jnp.float32) * s
    return {"h": h, "edge_index_mp0": edge_index_mp0, "edge_index_mp1": edge_index_mp1,
            "W0": W0, "al0": al0, "ar0": ar0, "W1": W1, "al1": al1, "ar1": ar1,
            "Ws": Ws, "bs": bs, "q": q}


def _gat(h, ei, W, al, ar):
    # DGL GATConv on a metapath-reachable homogeneous graph (eval mode, dropout=0)
    src = ei[0]
    dst = ei[1]
    feat = (h @ W).reshape(N, H, OUT)
    el = (feat * al[None, :, :]).sum(-1)  # [N, H]
    er = (feat * ar[None, :, :]).sum(-1)  # [N, H]
    e = jax.nn.leaky_relu(el[src] + er[dst], 0.2)  # [E, H]
    m = jax.ops.segment_max(e, dst, num_segments=N)
    m = jnp.where(jnp.isfinite(m), m, 0.0)
    ex = jnp.exp(e - m[dst])
    denom = jax.ops.segment_sum(ex, dst, num_segments=N)  # [N, H]
    msg = ex[:, :, None] * feat[src]  # [E, H, OUT]
    out = jax.ops.segment_sum(msg, dst, num_segments=N)  # [N, H, OUT]
    out = out / jnp.maximum(denom, 1e-9)[:, :, None]
    return jax.nn.elu(out).reshape(N, D)


def reference(h, edge_index_mp0, edge_index_mp1, W0, al0, ar0, W1, al1, ar1, Ws, bs, q):
    z0 = _gat(h, edge_index_mp0, W0, al0, ar0)
    z1 = _gat(h, edge_index_mp1, W1, al1, ar1)
    z = jnp.stack([z0, z1], axis=1)  # [N, M, D]
    # SemanticAttention: Linear -> tanh -> Linear(.,1) -> mean over nodes -> softmax over metapaths
    w = jnp.tanh(z @ Ws + bs) @ q  # [N, M]
    beta = jax.nn.softmax(w.mean(axis=0))  # [M]
    return (beta[None, :, None] * z).sum(axis=1)  # [N, D]

if __name__ == "__main__":
    import jax
    _d = setup_inputs()
    print(jax.jit(kernel)(*tuple(_d.values())))

</pallas_src>

<mosaic_0001>
#map = affine_map<(d0, d1) -> (0, 0)>
#map1 = affine_map<(d0, d1) -> (0)>
module attributes {stable_mosaic.version = 14 : i64} {
  func.func @sc_edges(%arg0: i32, %arg1: i32, %arg2: memref<20000x144xf32, #tpu.memory_space<hbm>>, %arg3: memref<20224x16xf32, #tpu.memory_space<hbm>>, %arg4: memref<645120xi32, #tpu.memory_space<hbm>>, %arg5: memref<645120xi32, #tpu.memory_space<hbm>>, %arg6: memref<32xf32, #tpu.memory_space<hbm>>, %arg7: memref<10112x144xf32, #tpu.memory_space<hbm>>, %arg8: memref<20224x144xf32, #tpu.memory_space<hbm>>, %arg9: memref<112xi32, #tpu.memory_space<vmem>>, %arg10: memref<112xi32, #tpu.memory_space<vmem>>, %arg11: memref<112xi32, #tpu.memory_space<vmem>>, %arg12: memref<112xi32, #tpu.memory_space<vmem>>, %arg13: memref<112xi32, #tpu.memory_space<vmem>>, %arg14: memref<112xi32, #tpu.memory_space<vmem>>, %arg15: memref<112x144xf32, #tpu.memory_space<vmem>>, %arg16: memref<112x144xf32, #tpu.memory_space<vmem>>, %arg17: memref<112x16xf32, #tpu.memory_space<vmem>>, %arg18: memref<112x16xf32, #tpu.memory_space<vmem>>, %arg19: memref<16xf32, #tpu.memory_space<vmem>>, %arg20: memref<10112x144xf32, #tpu.memory_space<vmem_shared>>, %arg21: memref<!tpu.dma_semaphore, #tpu.memory_space<semaphore_mem>>, %arg22: memref<!tpu.dma_semaphore, #tpu.memory_space<semaphore_mem>>, %arg23: memref<!tpu.dma_semaphore, #tpu.memory_space<semaphore_mem>>, %arg24: memref<!tpu.dma_semaphore, #tpu.memory_space<semaphore_mem>>, %arg25: memref<!tpu.dma_semaphore, #tpu.memory_space<semaphore_mem>>, %arg26: memref<!tpu.dma_semaphore, #tpu.memory_space<semaphore_mem>>) attributes {dimension_semantics = [#tpu.dimension_semantics<core_parallel>, #tpu.dimension_semantics<subcore_parallel>], iteration_bounds = array<i64: 2, 16>, scalar_prefetch = 0 : i64, scratch_operands = 18 : i64, tpu.core_type = #tpu.core_type<sc_vector_subcore>, window_params = [{transform_indices = #map}, {transform_indices = #map}, {transform_indices = #map1}, {transform_indices = #map1}, {transform_indices = #map1}, {transform_indices = #map}, {transform_indices = #map}]} {
    %mul3A = arith.constant 10000 : i32
    %mul3A_0 = arith.muli %arg0, %mul3A : i32
    %mul3A_1 = arith.constant 10112 : i32
    %mul3A_2 = arith.muli %arg0, %mul3A_1 : i32
    %mul3A_3 = arith.constant 632 : i32
    %mul3A_4 = arith.muli %arg1, %mul3A_3 : i32
    %mul3A_5 = arith.constant 632 : i32
    %mul3A_6 = arith.muli %arg1, %mul3A_5 : i32
    "tpu.region"() ({
      %run_scoped3A = tpu.sem_alloc : memref<!tpu.dma_semaphore, #tpu.memory_space<semaphore_mem>>
      %dma_start3A_60 = arith.constant 0 : i32
      %dma_start3A_61 = tpu.memref_slice %arg20[%mul3A_6, %dma_start3A_60] : memref<10112x144xf32, #tpu.memory_space<vmem_shared>> -> memref<632x144xf32, #tpu.memory_space<vmem_shared>>
      %dma_start3A_62 = arith.constant 0 : i32
      %dma_start3A_63 = tpu.memref_slice %arg7[%mul3A_4, %dma_start3A_62] : memref<10112x144xf32, #tpu.memory_space<hbm>> -> memref<632x144xf32, #tpu.memory_space<hbm>>
      tpu.enqueue_dma source(%dma_start3A_63 : memref<632x144xf32, #tpu.memory_space<hbm>>) target(%dma_start3A_61 : memref<632x144xf32, #tpu.memory_space<vmem_shared>>) target_semaphore(%run_scoped3A : memref<!tpu.dma_semaphore, #tpu.memory_space<semaphore_mem>>)
      %dma_wait3A_64 = arith.constant 0 : i32
      %dma_wait3A_65 = tpu.memref_slice %arg20[%mul3A_6, %dma_wait3A_64] : memref<10112x144xf32, #tpu.memory_space<vmem_shared>> -> memref<632x144xf32, #tpu.memory_space<vmem_shared>>
      %dma_wait3A_66 = arith.constant 0 : i32
      %dma_wait3A_67 = tpu.memref_slice %arg7[%mul3A_4, %dma_wait3A_66] : memref<10112x144xf32, #tpu.memory_space<hbm>> -> memref<632x144xf32, #tpu.memory_space<hbm>>
      tpu.wait_dma2 semaphore(%run_scoped3A : memref<!tpu.dma_semaphore, #tpu.memory_space<semaphore_mem>>) src(%dma_wait3A_67 : memref<632x144xf32, #tpu.memory_space<hbm>>) dst(%dma_wait3A_65 : memref<632x144xf32, #tpu.memory_space<vmem_shared>>)
      tpu.yield
    }) : () -> ()
    %mul3A_7 = arith.constant 16 : i32
    %mul3A_8 = arith.muli %arg0, %mul3A_7 : i32
    "tpu.region"() ({
      %run_scoped3A = tpu.sem_alloc : memref<!tpu.dma_semaphore, #tpu.memory_space<semaphore_mem>>
      %dma_start3A_60 = tpu.memref_slice %arg6[%mul3A_8] : memref<32xf32, #tpu.memory_space<hbm>> -> memref<16xf32, #tpu.memory_space<hbm>>
      %dma_start3A_61 = tpu.memref_slice %arg6[%mul3A_8] : memref<32xf32, #tpu.memory_space<hbm>> -> memref<16xf32, #tpu.memory_space<hbm>>
      tpu.enqueue_dma source(%dma_start3A_61 : memref<16xf32, #tpu.memory_space<hbm>>) target(%arg19 : memref<16xf32, #tpu.memory_space<vmem>>) target_semaphore(%run_scoped3A : memref<!tpu.dma_semaphore, #tpu.memory_space<semaphore_mem>>)
      %dma_wait3A_62 = tpu.memref_slice %arg6[%mul3A_8] : memref<32xf32, #tpu.memory_space<hbm>> -> memref<16xf32, #tpu.memory_space<hbm>>
      %dma_wait3A_63 = tpu.memref_slice %arg6[%mul3A_8] : memref<32xf32, #tpu.memory_space<hbm>> -> memref<16xf32, #tpu.memory_space<hbm>>
      tpu.wait_dma2 semaphore(%run_scoped3A : memref<!tpu.dma_semaphore, #tpu.memory_space<semaphore_mem>>) src(%dma_wait3A_63 : memref<16xf32, #tpu.memory_space<hbm>>) dst(%arg19 : memref<16xf32, #tpu.memory_space<vmem>>)
      tpu.yield
    }) : () -> ()
    %barrier3A = arith.constant 0 : index
    tpu.barrier barrier_id(%barrier3A)
    %get3A = arith.constant 0 : index
    %get3A_9 = tpu.vector_load %arg19[%get3A] {strides = array<i32>} : memref<16xf32, #tpu.memory_space<vmem>>, vector<16xf32>,
    %get3A_10 = vector.shape_cast %get3A_9 : vector<16xf32> to vector<16xf32>
    %mul3A_11 = arith.constant 322560 : i32
    %mul3A_12 = arith.muli %arg0, %mul3A_11 : i32
    %add3A = arith.constant 0 : i32
    %add3A_13 = arith.addi %arg1, %add3A : i32
    %mul3A_14 = arith.constant 112 : i32
    %mul3A_15 = arith.muli %add3A_13, %mul3A_14 : i32
    %add3A_16 = arith.addi %mul3A_12, %mul3A_15 : i32
    %dma_start3A = tpu.memref_slice %arg4[%add3A_16] : memref<645120xi32, #tpu.memory_space<hbm>> -> memref<112xi32, #tpu.memory_space<hbm>>
    %dma_start3A_17 = tpu.memref_slice %arg4[%add3A_16] : memref<645120xi32, #tpu.memory_space<hbm>> -> memref<112xi32, #tpu.memory_space<hbm>>
    tpu.enqueue_dma source(%dma_start3A_17 : memref<112xi32, #tpu.memory_space<hbm>>) target(%arg9 : memref<112xi32, #tpu.memory_space<vmem>>) target_semaphore(%arg21 : memref<!tpu.dma_semaphore, #tpu.memory_space<semaphore_mem>>)
    %dma_start3A_18 = tpu.memref_slice %arg5[%add3A_16] : memref<645120xi32, #tpu.memory_space<hbm>> -> memref<112xi32, #tpu.memory_space<hbm>>
    %dma_start3A_19 = tpu.memref_slice %arg5[%add3A_16] : memref<645120xi32, #tpu.memory_space<hbm>> -> memref<112xi32, #tpu.memory_space<hbm>>
    tpu.enqueue_dma source(%dma_start3A_19 : memref<112xi32, #tpu.memory_space<hbm>>) target(%arg11 : memref<112xi32, #tpu.memory_space<vmem>>) target_semaphore(%arg21 : memref<!tpu.dma_semaphore, #tpu.memory_space<semaphore_mem>>)
    %mul3A_20 = arith.constant 322560 : i32
    %mul3A_21 = arith.muli %arg0, %mul3A_20 : i32
    %add3A_22 = arith.constant 16 : i32
    %add3A_23 = arith.addi %arg1, %add3A_22 : i32
    %mul3A_24 = arith.constant 112 : i32
    %mul3A_25 = arith.muli %add3A_23, %mul3A_24 : i32
    %add3A_26 = arith.addi %mul3A_21, %mul3A_25 : i32
    %dma_start3A_27 = tpu.memref_slice %arg4[%add3A_26] : memref<645120xi32, #tpu.memory_space<hbm>> -> memref<112xi32, #tpu.memory_space<hbm>>
    %dma_start3A_28 = tpu.memref_slice %arg4[%add3A_26] : memref<645120xi32, #tpu.memory_space<hbm>> -> memref<112xi32, #tpu.memory_space<hbm>>
    tpu.enqueue_dma source(%dma_start3A_28 : memref<112xi32, #tpu.memory_space<hbm>>) target(%arg10 : memref<112xi32, #tpu.memory_space<vmem>>) target_semaphore(%arg22 : memref<!tpu.dma_semaphore, #tpu.memory_space<semaphore_mem>>)
    %dma_start3A_29 = tpu.memref_slice %arg5[%add3A_26] : memref<645120xi32, #tpu.memory_space<hbm>> -> memref<112xi32, #tpu.memory_space<hbm>>
    %dma_start3A_30 = tpu.memref_slice %arg5[%add3A_26] : memref<645120xi32, #tpu.memory_space<hbm>> -> memref<112xi32, #tpu.memory_space<hbm>>
    tpu.enqueue_dma source(%dma_start3A_30 : memref<112xi32, #tpu.memory_space<hbm>>) target(%arg12 : memref<112xi32, #tpu.memory_space<vmem>>) target_semaphore(%arg22 : memref<!tpu.dma_semaphore, #tpu.memory_space<semaphore_mem>>)
    %dma_wait3A = arith.constant 0 : i32
    %dma_wait3A_31 = tpu.memref_slice %arg4[%dma_wait3A] : memref<645120xi32, #tpu.memory_space<hbm>> -> memref<112xi32, #tpu.memory_space<hbm>>
    %dma_wait3A_32 = arith.constant 0 : i32
    %dma_wait3A_33 = tpu.memref_slice %arg4[%dma_wait3A_32] : memref<645120xi32, #tpu.memory_space<hbm>> -> memref<112xi32, #tpu.memory_space<hbm>>
    tpu.wait_dma2 semaphore(%arg21 : memref<!tpu.dma_semaphore, #tpu.memory_space<semaphore_mem>>) src(%dma_wait3A_33 : memref<112xi32, #tpu.memory_space<hbm>>) dst(%arg9 : memref<112xi32, #tpu.memory_space<vmem>>)
    %dma_wait3A_34 = arith.constant 0 : i32
    %dma_wait3A_35 = tpu.memref_slice %arg5[%dma_wait3A_34] : memref<645120xi32, #tpu.memory_space<hbm>> -> memref<112xi32, #tpu.memory_space<hbm>>
    %dma_wait3A_36 = arith.constant 0 : i32
    %dma_wait3A_37 = tpu.memref_slice %arg5[%dma_wait3A_36] : memref<645120xi32, #tpu.memory_space<hbm>> -> memref<112xi32, #tpu.memory_space<hbm>>
    tpu.wait_dma2 semaphore(%arg21 : memref<!tpu.dma_semaphore, #tpu.memory_space<semaphore_mem>>) src(%dma_wait3A_37 : memref<112xi32, #tpu.memory_space<hbm>>) dst(%arg11 : memref<112xi32, #tpu.memory_space<vmem>>)
    %dma_start3A_38 = arith.constant 0 : i32
    %dma_start3A_39 = arith.constant 0 : i32
    %dma_start3A_40 = tpu.memref_slice %arg2[%dma_start3A_38, %dma_start3A_39] : memref<20000x144xf32, #tpu.memory_space<hbm>> -> memref<20000x144xf32, #tpu.memory_space<hbm>>
    tpu.enqueue_indirect_dma source(%dma_start3A_40 : memref<20000x144xf32, #tpu.memory_space<hbm>>) target(%arg15 : memref<112x144xf32, #tpu.memory_space<vmem>>) offsets(%arg9 : memref<112xi32, #tpu.memory_space<vmem>>) semaphore(%arg23 : memref<!tpu.dma_semaphore, #tpu.memory_space<semaphore_mem>>)
    %dma_start3A_41 = arith.constant 0 : i32
    %dma_start3A_42 = arith.constant 0 : i32
    %dma_start3A_43 = tpu.memref_slice %arg3[%dma_start3A_41, %dma_start3A_42] : memref<20224x16xf32, #tpu.memory_space<hbm>> -> memref<20224x16xf32, #tpu.memory_space<hbm>>
    tpu.enqueue_indirect_dma source(%dma_start3A_43 : memref<20224x16xf32, #tpu.memory_space<hbm>>) target(%arg17 : memref<112x16xf32, #tpu.memory_space<vmem>>) offsets(%arg11 : memref<112xi32, #tpu.memory_space<vmem>>) semaphore(%arg23 : memref<!tpu.dma_semaphore, #tpu.memory_space<semaphore_mem>>)
    %scan3A = arith.constant 0 : i32
    %scan3A_44 = arith.constant 90 : i32
    %scan3A_45 = arith.addi %scan3A, %scan3A_44 : i32
    %scan3A_46 = arith.constant 1 : i32
    scf.for %scan3A_60 = %scan3A to %scan3A_45 step %scan3A_46  : i32 {
      %mul3A_61 = arith.constant 1 : i32
      %mul3A_62 = arith.muli %scan3A_60, %mul3A_61 : i32
      %add3A_63 = arith.constant 0 : i32
      %add3A_64 = arith.addi %add3A_63, %mul3A_62 : i32
      %mul3A_65 = arith.constant 2 : i32
      %mul3A_66 = arith.muli %mul3A_65, %add3A_64 : i32
      %add3A_67 = arith.constant 0 : i32
      %add3A_68 = arith.addi %mul3A_66, %add3A_67 : i32
      %ge3A = arith.constant 1 : i32
      %ge3A_69 = arith.cmpi sge, %add3A_64, %ge3A : i32
      %convert_element_type3A = arith.extui %ge3A_69 : i1 to i32
      %cond3A = arith.constant 0 : i32
      %cond3A_70 = arith.cmpi ne, %convert_element_type3A, %cond3A : i32
      scf.if %cond3A_70 {
        %dma_wait3A_122 = arith.constant 0 : i32
        %dma_wait3A_123 = arith.constant 0 : i32
        %dma_wait3A_124 = tpu.memref_slice %arg20[%dma_wait3A_122, %dma_wait3A_123] : memref<10112x144xf32, #tpu.memory_space<vmem_shared>> -> memref<10112x144xf32, #tpu.memory_space<vmem_shared>>
        tpu.wait_indirect_dma semaphore(%arg26 : memref<!tpu.dma_semaphore, #tpu.memory_space<semaphore_mem>>) src(%arg16 : memref<112x144xf32, #tpu.memory_space<vmem>>) dst(%dma_wait3A_124 : memref<10112x144xf32, #tpu.memory_space<vmem_shared>>)
        %dma_wait3A_125 = arith.constant 0 : i32
        %dma_wait3A_126 = tpu.memref_slice %arg4[%dma_wait3A_125] : memref<645120xi32, #tpu.memory_space<hbm>> -> memref<112xi32, #tpu.memory_space<hbm>>
        %dma_wait3A_127 = arith.constant 0 : i32
        %dma_wait3A_128 = tpu.memref_slice %arg4[%dma_wait3A_127] : memref<645120xi32, #tpu.memory_space<hbm>> -> memref<112xi32, #tpu.memory_space<hbm>>
        tpu.wait_dma2 semaphore(%arg22 : memref<!tpu.dma_semaphore, #tpu.memory_space<semaphore_mem>>) src(%dma_wait3A_128 : memref<112xi32, #tpu.memory_space<hbm>>) dst(%arg10 : memref<112xi32, #tpu.memory_space<vmem>>)
        %dma_wait3A_129 = arith.constant 0 : i32
        %dma_wait3A_130 = tpu.memref_slice %arg5[%dma_wait3A_129] : memref<645120xi32, #tpu.memory_space<hbm>> -> memref<112xi32, #tpu.memory_space<hbm>>
        %dma_wait3A_131 = arith.constant 0 : i32
        %dma_wait3A_132 = tpu.memref_slice %arg5[%dma_wait3A_131] : memref<645120xi32, #tpu.memory_space<hbm>> -> memref<112xi32, #tpu.memory_space<hbm>>
        tpu.wait_dma2 semaphore(%arg22 : memref<!tpu.dma_semaphore, #tpu.memory_space<semaphore_mem>>) src(%dma_wait3A_132 : memref<112xi32, #tpu.memory_space<hbm>>) dst(%arg12 : memref<112xi32, #tpu.memory_space<vmem>>)
        %dma_start3A_133 = arith.constant 0 : i32
        %dma_start3A_134 = arith.constant 0 : i32
        %dma_start3A_135 = tpu.memref_slice %arg2[%dma_start3A_133, %dma_start3A_134] : memref<20000x144xf32, #tpu.memory_space<hbm>> -> memref<20000x144xf32, #tpu.memory_space<hbm>>
        tpu.enqueue_indirect_dma source(%dma_start3A_135 : memref<20000x144xf32, #tpu.memory_space<hbm>>) target(%arg16 : memref<112x144xf32, #tpu.memory_space<vmem>>) offsets(%arg10 : memref<112xi32, #tpu.memory_space<vmem>>) semaphore(%arg24 : memref<!tpu.dma_semaphore, #tpu.memory_space<semaphore_mem>>)
        %dma_start3A_136 = arith.constant 0 : i32
        %dma_start3A_137 = arith.constant 0 : i32
        %dma_start3A_138 = tpu.memref_slice %arg3[%dma_start3A_136, %dma_start3A_137] : memref<20224x16xf32, #tpu.memory_space<hbm>> -> memref<20224x16xf32, #tpu.memory_space<hbm>>
        tpu.enqueue_indirect_dma source(%dma_start3A_138 : memref<20224x16xf32, #tpu.memory_space<hbm>>) target(%arg18 : memref<112x16xf32, #tpu.memory_space<vmem>>) offsets(%arg12 : memref<112xi32, #tpu.memory_space<vmem>>) semaphore(%arg24 : memref<!tpu.dma_semaphore, #tpu.memory_space<semaphore_mem>>)
      } else {
      }
      %eq3A = arith.constant 0 : i32
      %eq3A_71 = arith.cmpi eq, %add3A_64, %eq3A : i32
      %convert_element_type3A_72 = arith.extui %eq3A_71 : i1 to i32
      %cond3A_73 = arith.constant 0 : i32
      %cond3A_74 = arith.cmpi ne, %convert_element_type3A_72, %cond3A_73 : i32
      scf.if %cond3A_74 {
        %dma_wait3A_122 = arith.constant 0 : i32
        %dma_wait3A_123 = tpu.memref_slice %arg4[%dma_wait3A_122] : memref<645120xi32, #tpu.memory_space<hbm>> -> memref<112xi32, #tpu.memory_space<hbm>>
        %dma_wait3A_124 = arith.constant 0 : i32
        %dma_wait3A_125 = tpu.memref_slice %arg4[%dma_wait3A_124] : memref<645120xi32, #tpu.memory_space<hbm>> -> memref<112xi32, #tpu.memory_space<hbm>>
        tpu.wait_dma2 semaphore(%arg22 : memref<!tpu.dma_semaphore, #tpu.memory_space<semaphore_mem>>) src(%dma_wait3A_125 : memref<112xi32, #tpu.memory_space<hbm>>) dst(%arg10 : memref<112xi32, #tpu.memory_space<vmem>>)
        %dma_wait3A_126 = arith.constant 0 : i32
        %dma_wait3A_127 = tpu.memref_slice %arg5[%dma_wait3A_126] : memref<645120xi32, #tpu.memory_space<hbm>> -> memref<112xi32, #tpu.memory_space<hbm>>
        %dma_wait3A_128 = arith.constant 0 : i32
        %dma_wait3A_129 = tpu.memref_slice %arg5[%dma_wait3A_128] : memref<645120xi32, #tpu.memory_space<hbm>> -> memref<112xi32, #tpu.memory_space<hbm>>
        tpu.wait_dma2 semaphore(%arg22 : memref<!tpu.dma_semaphore, #tpu.memory_space<semaphore_mem>>) src(%dma_wait3A_129 : memref<112xi32, #tpu.memory_space<hbm>>) dst(%arg12 : memref<112xi32, #tpu.memory_space<vmem>>)
        %dma_start3A_130 = arith.constant 0 : i32
        %dma_start3A_131 = arith.constant 0 : i32
        %dma_start3A_132 = tpu.memref_slice %arg2[%dma_start3A_130, %dma_start3A_131] : memref<20000x144xf32, #tpu.memory_space<hbm>> -> memref<20000x144xf32, #tpu.memory_space<hbm>>
        tpu.enqueue_indirect_dma source(%dma_start3A_132 : memref<20000x144xf32, #tpu.memory_space<hbm>>) target(%arg16 : memref<112x144xf32, #tpu.memory_space<vmem>>) offsets(%arg10 : memref<112xi32, #tpu.memory_space<vmem>>) semaphore(%arg24 : memref<!tpu.dma_semaphore, #tpu.memory_space<semaphore_mem>>)
        %dma_start3A_133 = arith.constant 0 : i32
        %dma_start3A_134 = arith.constant 0 : i32
        %dma_start3A_135 = tpu.memref_slice %arg3[%dma_start3A_133, %dma_start3A_134] : memref<20224x16xf32, #tpu.memory_space<hbm>> -> memref<20224x16xf32, #tpu.memory_space<hbm>>
        tpu.enqueue_indirect_dma source(%dma_start3A_135 : memref<20224x16xf32, #tpu.memory_space<hbm>>) target(%arg18 : memref<112x16xf32, #tpu.memory_space<vmem>>) offsets(%arg12 : memref<112xi32, #tpu.memory_space<vmem>>) semaphore(%arg24 : memref<!tpu.dma_semaphore, #tpu.memory_space<semaphore_mem>>)
      } else {
      }
      %dma_wait3A_75 = arith.constant 0 : i32
      %dma_wait3A_76 = arith.constant 0 : i32
      %dma_wait3A_77 = tpu.memref_slice %arg2[%dma_wait3A_75, %dma_wait3A_76] : memref<20000x144xf32, #tpu.memory_space<hbm>> -> memref<20000x144xf32, #tpu.memory_space<hbm>>
      tpu.wait_indirect_dma semaphore(%arg23 : memref<!tpu.dma_semaphore, #tpu.memory_space<semaphore_mem>>) src(%dma_wait3A_77 : memref<20000x144xf32, #tpu.memory_space<hbm>>) dst(%arg15 : memref<112x144xf32, #tpu.memory_space<vmem>>)
      %dma_wait3A_78 = arith.constant 0 : i32
      %dma_wait3A_79 = arith.constant 0 : i32
      %dma_wait3A_80 = tpu.memref_slice %arg3[%dma_wait3A_78, %dma_wait3A_79] : memref<20224x16xf32, #tpu.memory_space<hbm>> -> memref<20224x16xf32, #tpu.memory_space<hbm>>
      tpu.wait_indirect_dma semaphore(%arg23 : memref<!tpu.dma_semaphore, #tpu.memory_space<semaphore_mem>>) src(%dma_wait3A_80 : memref<20224x16xf32, #tpu.memory_space<hbm>>) dst(%arg17 : memref<112x16xf32, #tpu.memory_space<vmem>>)
      %parallel_loop3A = arith.constant 0 : i32
      %parallel_loop3A_81 = arith.constant 112 : i32
      %parallel_loop3A_82 = arith.constant 16 : i32
      scf.for %parallel_loop3A_122 = %parallel_loop3A to %parallel_loop3A_81 step %parallel_loop3A_82  : i32 {
        %parallel_loop3A_123 = arith.index_cast %parallel_loop3A_122 : i32 to index
        %parallel_loop3A_124 = tpu.vector_load %arg11[%parallel_loop3A_123] {strides = array<i32>} : memref<112xi32, #tpu.memory_space<vmem>>, vector<16xi32>,
        %parallel_loop3A_125 = vector.shape_cast %parallel_loop3A_124 : vector<16xi32> to vector<16xi32>
        %parallel_loop3A_126 = vector.broadcast %mul3A_0 : i32 to vector<16xi32>
        %parallel_loop3A_127 = arith.subi %parallel_loop3A_125, %parallel_loop3A_126 : vector<16xi32>
        %parallel_loop3A_128 = arith.index_cast %parallel_loop3A_122 : i32 to index
        %parallel_loop3A_129 = tpu.vector_load %arg13[%parallel_loop3A_128] {strides = array<i32>} : memref<112xi32, #tpu.memory_space<vmem>>, vector<16xi32>,
        %parallel_loop3A_130 = vector.shape_cast %parallel_loop3A_129 : vector<16xi32> to vector<16xi32>
        %parallel_loop3A_131 = vector.shape_cast %parallel_loop3A_127 : vector<16xi32> to vector<16xi32>
        tpu.vector_store %arg13[%parallel_loop3A_128], %parallel_loop3A_131 {strides = array<i32>} : memref<112xi32, #tpu.memory_space<vmem>>, vector<16xi32>,
      } {sc.loop_unroll_factor = 2 : i64, sc.parallel_access}
      %parallel_loop3A_83 = arith.constant 0 : i32
      %parallel_loop3A_84 = arith.constant 112 : i32
      %parallel_loop3A_85 = arith.constant 1 : i32
      scf.for %parallel_loop3A_122 = %parallel_loop3A_83 to %parallel_loop3A_84 step %parallel_loop3A_85  : i32 {
        %parallel_loop3A_123 = arith.index_cast %parallel_loop3A_122 : i32 to index
        %parallel_loop3A_124 = arith.constant 128 : index
        %parallel_loop3A_125 = tpu.vector_load %arg15[%parallel_loop3A_123, %parallel_loop3A_124] {strides = array<i32>} : memref<112x144xf32, #tpu.memory_space<vmem>>, vector<1x16xf32>,
        %parallel_loop3A_126 = vector.shape_cast %parallel_loop3A_125 : vector<1x16xf32> to vector<16xf32>
        %parallel_loop3A_127 = arith.index_cast %parallel_loop3A_122 : i32 to index
        %parallel_loop3A_128 = arith.constant 0 : index
        %parallel_loop3A_129 = tpu.vector_load %arg17[%parallel_loop3A_127, %parallel_loop3A_128] {strides = array<i32>} : memref<112x16xf32, #tpu.memory_space<vmem>>, vector<1x16xf32>,
        %parallel_loop3A_130 = vector.shape_cast %parallel_loop3A_129 : vector<1x16xf32> to vector<16xf32>
        %parallel_loop3A_131 = arith.addf %parallel_loop3A_126, %parallel_loop3A_130 : vector<16xf32>
        %parallel_loop3A_132 = arith.constant 2.000000e-01 : f32
        %parallel_loop3A_133 = vector.broadcast %parallel_loop3A_132 : f32 to vector<16xf32>
        %parallel_loop3A_134 = arith.mulf %parallel_loop3A_133, %parallel_loop3A_131 : vector<16xf32>
        %parallel_loop3A_135 = arith.maximumf %parallel_loop3A_131, %parallel_loop3A_134 : vector<16xf32>
        %parallel_loop3A_136 = arith.subf %parallel_loop3A_135, %get3A_10 : vector<16xf32>
        %parallel_loop3A_137 = math.exp %parallel_loop3A_136 : vector<16xf32>
        %parallel_loop3A_138 = arith.index_cast %parallel_loop3A_122 : i32 to index
        %parallel_loop3A_139 = arith.constant 128 : index
        %parallel_loop3A_140 = tpu.vector_load %arg15[%parallel_loop3A_138, %parallel_loop3A_139] {strides = array<i32>} : memref<112x144xf32, #tpu.memory_space<vmem>>, vector<1x16xf32>,
        %parallel_loop3A_141 = vector.shape_cast %parallel_loop3A_140 : vector<1x16xf32> to vector<16xf32>
        %parallel_loop3A_142 = vector.shape_cast %parallel_loop3A_137 : vector<16xf32> to vector<1x16xf32>
        tpu.vector_store %arg15[%parallel_loop3A_138, %parallel_loop3A_139], %parallel_loop3A_142 {strides = array<i32>} : memref<112x144xf32, #tpu.memory_space<vmem>>, vector<1x16xf32>,
        %parallel_loop3A_143 = arith.constant 0 : i32
        %parallel_loop3A_144 = vector.broadcast %parallel_loop3A_143 : i32 to vector<16xi32>
        %parallel_loop3A_145 = vector.shape_cast %parallel_loop3A_144 : vector<16xi32> to vector<16x1xi32>
        %parallel_loop3A_146 = vector.shape_cast %parallel_loop3A_145 : vector<16x1xi32> to vector<16xi32>
        %parallel_loop3A_147 = tpu.dynamic_gather %parallel_loop3A_137[%parallel_loop3A_146] in [0] : vector<16xf32>, vector<16xi32> -> vector<16xf32>
        %parallel_loop3A_148 = arith.index_cast %parallel_loop3A_122 : i32 to index
        %parallel_loop3A_149 = arith.constant 0 : index
        %parallel_loop3A_150 = tpu.vector_load %arg15[%parallel_loop3A_148, %parallel_loop3A_149] {strides = array<i32>} : memref<112x144xf32, #tpu.memory_space<vmem>>, vector<1x16xf32>,
        %parallel_loop3A_151 = vector.shape_cast %parallel_loop3A_150 : vector<1x16xf32> to vector<16xf32>
        %parallel_loop3A_152 = arith.mulf %parallel_loop3A_151, %parallel_loop3A_147 : vector<16xf32>
        %parallel_loop3A_153 = arith.index_cast %parallel_loop3A_122 : i32 to index
        %parallel_loop3A_154 = arith.constant 0 : index
        %parallel_loop3A_155 = tpu.vector_load %arg15[%parallel_loop3A_153, %parallel_loop3A_154] {strides = array<i32>} : memref<112x144xf32, #tpu.memory_space<vmem>>, vector<1x16xf32>,
        %parallel_loop3A_156 = vector.shape_cast %parallel_loop3A_155 : vector<1x16xf32> to vector<16xf32>
        %parallel_loop3A_157 = vector.shape_cast %parallel_loop3A_152 : vector<16xf32> to vector<1x16xf32>
        tpu.vector_store %arg15[%parallel_loop3A_153, %parallel_loop3A_154], %parallel_loop3A_157 {strides = array<i32>} : memref<112x144xf32, #tpu.memory_space<vmem>>, vector<1x16xf32>,
        %parallel_loop3A_158 = arith.constant 1 : i32
        %parallel_loop3A_159 = vector.broadcast %parallel_loop3A_158 : i32 to vector<16xi32>
        %parallel_loop3A_160 = vector.shape_cast %parallel_loop3A_159 : vector<16xi32> to vector<16x1xi32>
        %parallel_loop3A_161 = vector.shape_cast %parallel_loop3A_160 : vector<16x1xi32> to vector<16xi32>
        %parallel_loop3A_162 = tpu.dynamic_gather %parallel_loop3A_137[%parallel_loop3A_161] in [0] : vector<16xf32>, vector<16xi32> -> vector<16xf32>
        %parallel_loop3A_163 = arith.index_cast %parallel_loop3A_122 : i32 to index
        %parallel_loop3A_164 = arith.constant 16 : index
        %parallel_loop3A_165 = tpu.vector_load %arg15[%parallel_loop3A_163, %parallel_loop3A_164] {strides = array<i32>} : memref<112x144xf32, #tpu.memory_space<vmem>>, vector<1x16xf32>,
        %parallel_loop3A_166 = vector.shape_cast %parallel_loop3A_165 : vector<1x16xf32> to vector<16xf32>
        %parallel_loop3A_167 = arith.mulf %parallel_loop3A_166, %parallel_loop3A_162 : vector<16xf32>
        %parallel_loop3A_168 = arith.index_cast %parallel_loop3A_122 : i32 to index
        %parallel_loop3A_169 = arith.constant 16 : index
        %parallel_loop3A_170 = tpu.vector_load %arg15[%parallel_loop3A_168, %parallel_loop3A_169] {strides = array<i32>} : memref<112x144xf32, #tpu.memory_space<vmem>>, vector<1x16xf32>,
        %parallel_loop3A_171 = vector.shape_cast %parallel_loop3A_170 : vector<1x16xf32> to vector<16xf32>
        %parallel_loop3A_172 = vector.shape_cast %parallel_loop3A_167 : vector<16xf32> to vector<1x16xf32>
        tpu.vector_store %arg15[%parallel_loop3A_168, %parallel_loop3A_169], %parallel_loop3A_172 {strides = array<i32>} : memref<112x144xf32, #tpu.memory_space<vmem>>, vector<1x16xf32>,
        %parallel_loop3A_173 = arith.constant 2 : i32
        %parallel_loop3A_174 = vector.broadcast %parallel_loop3A_173 : i32 to vector<16xi32>
        %parallel_loop3A_175 = vector.shape_cast %parallel_loop3A_174 : vector<16xi32> to vector<16x1xi32>
        %parallel_loop3A_176 = vector.shape_cast %parallel_loop3A_175 : vector<16x1xi32> to vector<16xi32>
        %parallel_loop3A_177 = tpu.dynamic_gather %parallel_loop3A_137[%parallel_loop3A_176] in [0] : vector<16xf32>, vector<16xi32> -> vector<16xf32>
        %parallel_loop3A_178 = arith.index_cast %parallel_loop3A_122 : i32 to index
        %parallel_loop3A_179 = arith.constant 32 : index
        %parallel_loop3A_180 = tpu.vector_load %arg15[%parallel_loop3A_178, %parallel_loop3A_179] {strides = array<i32>} : memref<112x144xf32, #tpu.memory_space<vmem>>, vector<1x16xf32>,
        %parallel_loop3A_181 = vector.shape_cast %parallel_loop3A_180 : vector<1x16xf32> to vector<16xf32>
        %parallel_loop3A_182 = arith.mulf %parallel_loop3A_181, %parallel_loop3A_177 : vector<16xf32>
        %parallel_loop3A_183 = arith.index_cast %parallel_loop3A_122 : i32 to index
        %parallel_loop3A_184 = arith.constant 32 : index
        %parallel_loop3A_185 = tpu.vector_load %arg15[%parallel_loop3A_183, %parallel_loop3A_184] {strides = array<i32>} : memref<112x144xf32, #tpu.memory_space<vmem>>, vector<1x16xf32>,
        %parallel_loop3A_186 = vector.shape_cast %parallel_loop3A_185 : vector<1x16xf32> to vector<16xf32>
        %parallel_loop3A_187 = vector.shape_cast %parallel_loop3A_182 : vector<16xf32> to vector<1x16xf32>
        tpu.vector_store %arg15[%parallel_loop3A_183, %parallel_loop3A_184], %parallel_loop3A_187 {strides = array<i32>} : memref<112x144xf32, #tpu.memory_space<vmem>>, vector<1x16xf32>,
        %parallel_loop3A_188 = arith.constant 3 : i32
        %parallel_loop3A_189 = vector.broadcast %parallel_loop3A_188 : i32 to vector<16xi32>
        %parallel_loop3A_190 = vector.shape_cast %parallel_loop3A_189 : vector<16xi32> to vector<16x1xi32>
        %parallel_loop3A_191 = vector.shape_cast %parallel_loop3A_190 : vector<16x1xi32> to vector<16xi32>
        %parallel_loop3A_192 = tpu.dynamic_gather %parallel_loop3A_137[%parallel_loop3A_191] in [0] : vector<16xf32>, vector<16xi32> -> vector<16xf32>
        %parallel_loop3A_193 = arith.index_cast %parallel_loop3A_122 : i32 to index
        %parallel_loop3A_194 = arith.constant 48 : index
        %parallel_loop3A_195 = tpu.vector_load %arg15[%parallel_loop3A_193, %parallel_loop3A_194] {strides = array<i32>} : memref<112x144xf32, #tpu.memory_space<vmem>>, vector<1x16xf32>,
        %parallel_loop3A_196 = vector.shape_cast %parallel_loop3A_195 : vector<1x16xf32> to vector<16xf32>
        %parallel_loop3A_197 = arith.mulf %parallel_loop3A_196, %parallel_loop3A_192 : vector<16xf32>
        %parallel_loop3A_198 = arith.index_cast %parallel_loop3A_122 : i32 to index
        %parallel_loop3A_199 = arith.constant 48 : index
        %parallel_loop3A_200 = tpu.vector_load %arg15[%parallel_loop3A_198, %parallel_loop3A_199] {strides = array<i32>} : memref<112x144xf32, #tpu.memory_space<vmem>>, vector<1x16xf32>,
        %parallel_loop3A_201 = vector.shape_cast %parallel_loop3A_200 : vector<1x16xf32> to vector<16xf32>
        %parallel_loop3A_202 = vector.shape_cast %parallel_loop3A_197 : vector<16xf32> to vector<1x16xf32>
        tpu.vector_store %arg15[%parallel_loop3A_198, %parallel_loop3A_199], %parallel_loop3A_202 {strides = array<i32>} : memref<112x144xf32, #tpu.memory_space<vmem>>, vector<1x16xf32>,
        %parallel_loop3A_203 = arith.constant 4 : i32
        %parallel_loop3A_204 = vector.broadcast %parallel_loop3A_203 : i32 to vector<16xi32>
        %parallel_loop3A_205 = vector.shape_cast %parallel_loop3A_204 : vector<16xi32> to vector<16x1xi32>
        %parallel_loop3A_206 = vector.shape_cast %parallel_loop3A_205 : vector<16x1xi32> to vector<16xi32>
        %parallel_loop3A_207 = tpu.dynamic_gather %parallel_loop3A_137[%parallel_loop3A_206] in [0] : vector<16xf32>, vector<16xi32> -> vector<16xf32>
        %parallel_loop3A_208 = arith.index_cast %parallel_loop3A_122 : i32 to index
        %parallel_loop3A_209 = arith.constant 64 : index
        %parallel_loop3A_210 = tpu.vector_load %arg15[%parallel_loop3A_208, %parallel_loop3A_209] {strides = array<i32>} : memref<112x144xf32, #tpu.memory_space<vmem>>, vector<1x16xf32>,
        %parallel_loop3A_211 = vector.shape_cast %parallel_loop3A_210 : vector<1x16xf32> to vector<16xf32>
        %parallel_loop3A_212 = arith.mulf %parallel_loop3A_211, %parallel_loop3A_207 : vector<16xf32>
        %parallel_loop3A_213 = arith.index_cast %parallel_loop3A_122 : i32 to index
        %parallel_loop3A_214 = arith.constant 64 : index
        %parallel_loop3A_215 = tpu.vector_load %arg15[%parallel_loop3A_213, %parallel_loop3A_214] {strides = array<i32>} : memref<112x144xf32, #tpu.memory_space<vmem>>, vector<1x16xf32>,
        %parallel_loop3A_216 = vector.shape_cast %parallel_loop3A_215 : vector<1x16xf32> to vector<16xf32>
        %parallel_loop3A_217 = vector.shape_cast %parallel_loop3A_212 : vector<16xf32> to vector<1x16xf32>
        tpu.vector_store %arg15[%parallel_loop3A_213, %parallel_loop3A_214], %parallel_loop3A_217 {strides = array<i32>} : memref<112x144xf32, #tpu.memory_space<vmem>>, vector<1x16xf32>,
        %parallel_loop3A_218 = arith.constant 5 : i32
        %parallel_loop3A_219 = vector.broadcast %parallel_loop3A_218 : i32 to vector<16xi32>
        %parallel_loop3A_220 = vector.shape_cast %parallel_loop3A_219 : vector<16xi32> to vector<16x1xi32>
        %parallel_loop3A_221 = vector.shape_cast %parallel_loop3A_220 : vector<16x1xi32> to vector<16xi32>
        %parallel_loop3A_222 = tpu.dynamic_gather %parallel_loop3A_137[%parallel_loop3A_221] in [0] : vector<16xf32>, vector<16xi32> -> vector<16xf32>
        %parallel_loop3A_223 = arith.index_cast %parallel_loop3A_122 : i32 to index
        %parallel_loop3A_224 = arith.constant 80 : index
        %parallel_loop3A_225 = tpu.vector_load %arg15[%parallel_loop3A_223, %parallel_loop3A_224] {strides = array<i32>} : memref<112x144xf32, #tpu.memory_space<vmem>>, vector<1x16xf32>,
        %parallel_loop3A_226 = vector.shape_cast %parallel_loop3A_225 : vector<1x16xf32> to vector<16xf32>
        %parallel_loop3A_227 = arith.mulf %parallel_loop3A_226, %parallel_loop3A_222 : vector<16xf32>
        %parallel_loop3A_228 = arith.index_cast %parallel_loop3A_122 : i32 to index
        %parallel_loop3A_229 = arith.constant 80 : index
        %parallel_loop3A_230 = tpu.vector_load %arg15[%parallel_loop3A_228, %parallel_loop3A_229] {strides = array<i32>} : memref<112x144xf32, #tpu.memory_space<vmem>>, vector<1x16xf32>,
        %parallel_loop3A_231 = vector.shape_cast %parallel_loop3A_230 : vector<1x16xf32> to vector<16xf32>
        %parallel_loop3A_232 = vector.shape_cast %parallel_loop3A_227 : vector<16xf32> to vector<1x16xf32>
        tpu.vector_store %arg15[%parallel_loop3A_228, %parallel_loop3A_229], %parallel_loop3A_232 {strides = array<i32>} : memref<112x144xf32, #tpu.memory_space<vmem>>, vector<1x16xf32>,
        %parallel_loop3A_233 = arith.constant 6 : i32
        %parallel_loop3A_234 = vector.broadcast %parallel_loop3A_233 : i32 to vector<16xi32>
        %parallel_loop3A_235 = vector.shape_cast %parallel_loop3A_234 : vector<16xi32> to vector<16x1xi32>
        %parallel_loop3A_236 = vector.shape_cast %parallel_loop3A_235 : vector<16x1xi32> to vector<16xi32>
        %parallel_loop3A_237 = tpu.dynamic_gather %parallel_loop3A_137[%parallel_loop3A_236] in [0] : vector<16xf32>, vector<16xi32> -> vector<16xf32>
        %parallel_loop3A_238 = arith.index_cast %parallel_loop3A_122 : i32 to index
        %parallel_loop3A_239 = arith.constant 96 : index
        %parallel_loop3A_240 = tpu.vector_load %arg15[%parallel_loop3A_238, %parallel_loop3A_239] {strides = array<i32>} : memref<112x144xf32, #tpu.memory_space<vmem>>, vector<1x16xf32>,
        %parallel_loop3A_241 = vector.shape_cast %parallel_loop3A_240 : vector<1x16xf32> to vector<16xf32>
        %parallel_loop3A_242 = arith.mulf %parallel_loop3A_241, %parallel_loop3A_237 : vector<16xf32>
        %parallel_loop3A_243 = arith.index_cast %parallel_loop3A_122 : i32 to index
        %parallel_loop3A_244 = arith.constant 96 : index
        %parallel_loop3A_245 = tpu.vector_load %arg15[%parallel_loop3A_243, %parallel_loop3A_244] {strides = array<i32>} : memref<112x144xf32, #tpu.memory_space<vmem>>, vector<1x16xf32>,
        %parallel_loop3A_246 = vector.shape_cast %parallel_loop3A_245 : vector<1x16xf32> to vector<16xf32>
        %parallel_loop3A_247 = vector.shape_cast %parallel_loop3A_242 : vector<16xf32> to vector<1x16xf32>
        tpu.vector_store %arg15[%parallel_loop3A_243, %parallel_loop3A_244], %parallel_loop3A_247 {strides = array<i32>} : memref<112x144xf32, #tpu.memory_space<vmem>>, vector<1x16xf32>,
        %parallel_loop3A_248 = arith.constant 7 : i32
        %parallel_loop3A_249 = vector.broadcast %parallel_loop3A_248 : i32 to vector<16xi32>
        %parallel_loop3A_250 = vector.shape_cast %parallel_loop3A_249 : vector<16xi32> to vector<16x1xi32>
        %parallel_loop3A_251 = vector.shape_cast %parallel_loop3A_250 : vector<16x1xi32> to vector<16xi32>
        %parallel_loop3A_252 = tpu.dynamic_gather %parallel_loop3A_137[%parallel_loop3A_251] in [0] : vector<16xf32>, vector<16xi32> -> vector<16xf32>
        %parallel_loop3A_253 = arith.index_cast %parallel_loop3A_122 : i32 to index
        %parallel_loop3A_254 = arith.constant 112 : index
        %parallel_loop3A_255 = tpu.vector_load %arg15[%parallel_loop3A_253, %parallel_loop3A_254] {strides = array<i32>} : memref<112x144xf32, #tpu.memory_space<vmem>>, vector<1x16xf32>,
        %parallel_loop3A_256 = vector.shape_cast %parallel_loop3A_255 : vector<1x16xf32> to vector<16xf32>
        %parallel_loop3A_257 = arith.mulf %parallel_loop3A_256, %parallel_loop3A_252 : vector<16xf32>
        %parallel_loop3A_258 = arith.index_cast %parallel_loop3A_122 : i32 to index
        %parallel_loop3A_259 = arith.constant 112 : index
        %parallel_loop3A_260 = tpu.vector_load %arg15[%parallel_loop3A_258, %parallel_loop3A_259] {strides = array<i32>} : memref<112x144xf32, #tpu.memory_space<vmem>>, vector<1x16xf32>,
        %parallel_loop3A_261 = vector.shape_cast %parallel_loop3A_260 : vector<1x16xf32> to vector<16xf32>
        %parallel_loop3A_262 = vector.shape_cast %parallel_loop3A_257 : vector<16xf32> to vector<1x16xf32>
        tpu.vector_store %arg15[%parallel_loop3A_258, %parallel_loop3A_259], %parallel_loop3A_262 {strides = array<i32>} : memref<112x144xf32, #tpu.memory_space<vmem>>, vector<1x16xf32>,
      } {sc.loop_unroll_factor = 4 : i64, sc.parallel_access}
      %dma_start3A_86 = arith.constant 0 : i32
      %dma_start3A_87 = arith.constant 0 : i32
      %dma_start3A_88 = tpu.memref_slice %arg20[%dma_start3A_86, %dma_start3A_87] : memref<10112x144xf32, #tpu.memory_space<vmem_shared>> -> memref<10112x144xf32, #tpu.memory_space<vmem_shared>>
      tpu.enqueue_indirect_dma source(%arg15 : memref<112x144xf32, #tpu.memory_space<vmem>>) target(%dma_start3A_88 : memref<10112x144xf32, #tpu.memory_space<vmem_shared>>) offsets(%arg13 : memref<112xi32, #tpu.memory_space<vmem>>) semaphore(%arg25 : memref<!tpu.dma_semaphore, #tpu.memory_space<semaphore_mem>>) {add = true}
      %lt3A = arith.constant 89 : i32
      %lt3A_89 = arith.cmpi slt, %add3A_64, %lt3A : i32
      %convert_element_type3A_90 = arith.extui %lt3A_89 : i1 to i32
      %cond3A_91 = arith.constant 0 : i32
      %cond3A_92 = arith.cmpi ne, %convert_element_type3A_90, %cond3A_91 : i32
      scf.if %cond3A_92 {
        %add3A_122 = arith.constant 2 : i32
        %add3A_123 = arith.addi %add3A_68, %add3A_122 : i32
        %mul3A_124 = arith.constant 322560 : i32
        %mul3A_125 = arith.muli %arg0, %mul3A_124 : i32
        %mul3A_126 = arith.constant 16 : i32
        %mul3A_127 = arith.muli %add3A_123, %mul3A_126 : i32
        %add3A_128 = arith.addi %arg1, %mul3A_127 : i32
        %mul3A_129 = arith.constant 112 : i32
        %mul3A_130 = arith.muli %add3A_128, %mul3A_129 : i32
        %add3A_131 = arith.addi %mul3A_125, %mul3A_130 : i32
        %dma_start3A_132 = tpu.memref_slice %arg4[%add3A_131] : memref<645120xi32, #tpu.memory_space<hbm>> -> memref<112xi32, #tpu.memory_space<hbm>>
        %dma_start3A_133 = tpu.memref_slice %arg4[%add3A_131] : memref<645120xi32, #tpu.memory_space<hbm>> -> memref<112xi32, #tpu.memory_space<hbm>>
        tpu.enqueue_dma source(%dma_start3A_133 : memref<112xi32, #tpu.memory_space<hbm>>) target(%arg9 : memref<112xi32, #tpu.memory_space<vmem>>) target_semaphore(%arg21 : memref<!tpu.dma_semaphore, #tpu.memory_space<semaphore_mem>>)
        %dma_start3A_134 = tpu.memref_slice %arg5[%add3A_131] : memref<645120xi32, #tpu.memory_space<hbm>> -> memref<112xi32, #tpu.memory_space<hbm>>
        %dma_start3A_135 = tpu.memref_slice %arg5[%add3A_131] : memref<645120xi32, #tpu.memory_space<hbm>> -> memref<112xi32, #tpu.memory_space<hbm>>
        tpu.enqueue_dma source(%dma_start3A_135 : memref<112xi32, #tpu.memory_space<hbm>>) target(%arg11 : memref<112xi32, #tpu.memory_space<vmem>>) target_semaphore(%arg21 : memref<!tpu.dma_semaphore, #tpu.memory_space<semaphore_mem>>)
      } else {
      }
      %mul3A_93 = arith.constant 2 : i32
      %mul3A_94 = arith.muli %mul3A_93, %add3A_64 : i32
      %add3A_95 = arith.constant 1 : i32
      %add3A_96 = arith.addi %mul3A_94, %add3A_95 : i32
      %lt3A_97 = arith.constant 89 : i32
      %lt3A_98 = arith.cmpi slt, %add3A_64, %lt3A_97 : i32
      %convert_element_type3A_99 = arith.extui %lt3A_98 : i1 to i32
      %cond3A_100 = arith.constant 0 : i32
      %cond3A_101 = arith.cmpi ne, %convert_element_type3A_99, %cond3A_100 : i32
      scf.if %cond3A_101 {
        %dma_wait3A_122 = arith.constant 0 : i32
        %dma_wait3A_123 = arith.constant 0 : i32
        %dma_wait3A_124 = tpu.memref_slice %arg20[%dma_wait3A_122, %dma_wait3A_123] : memref<10112x144xf32, #tpu.memory_space<vmem_shared>> -> memref<10112x144xf32, #tpu.memory_space<vmem_shared>>
        tpu.wait_indirect_dma semaphore(%arg25 : memref<!tpu.dma_semaphore, #tpu.memory_space<semaphore_mem>>) src(%arg15 : memref<112x144xf32, #tpu.memory_space<vmem>>) dst(%dma_wait3A_124 : memref<10112x144xf32, #tpu.memory_space<vmem_shared>>)
        %dma_wait3A_125 = arith.constant 0 : i32
        %dma_wait3A_126 = tpu.memref_slice %arg4[%dma_wait3A_125] : memref<645120xi32, #tpu.memory_space<hbm>> -> memref<112xi32, #tpu.memory_space<hbm>>
        %dma_wait3A_127 = arith.constant 0 : i32
        %dma_wait3A_128 = tpu.memref_slice %arg4[%dma_wait3A_127] : memref<645120xi32, #tpu.memory_space<hbm>> -> memref<112xi32, #tpu.memory_space<hbm>>
        tpu.wait_dma2 semaphore(%arg21 : memref<!tpu.dma_semaphore, #tpu.memory_space<semaphore_mem>>) src(%dma_wait3A_128 : memref<112xi32, #tpu.memory_space<hbm>>) dst(%arg9 : memref<112xi32, #tpu.memory_space<vmem>>)
        %dma_wait3A_129 = arith.constant 0 : i32
        %dma_wait3A_130 = tpu.memref_slice %arg5[%dma_wait3A_129] : memref<645120xi32, #tpu.memory_space<hbm>> -> memref<112xi32, #tpu.memory_space<hbm>>
        %dma_wait3A_131 = arith.constant 0 : i32
        %dma_wait3A_132 = tpu.memref_slice %arg5[%dma_wait3A_131] : memref<645120xi32, #tpu.memory_space<hbm>> -> memref<112xi32, #tpu.memory_space<hbm>>
        tpu.wait_dma2 semaphore(%arg21 : memref<!tpu.dma_semaphore, #tpu.memory_space<semaphore_mem>>) src(%dma_wait3A_132 : memref<112xi32, #tpu.memory_space<hbm>>) dst(%arg11 : memref<112xi32, #tpu.memory_space<vmem>>)
        %dma_start3A_133 = arith.constant 0 : i32
        %dma_start3A_134 = arith.constant 0 : i32
        %dma_start3A_135 = tpu.memref_slice %arg2[%dma_start3A_133, %dma_start3A_134] : memref<20000x144xf32, #tpu.memory_space<hbm>> -> memref<20000x144xf32, #tpu.memory_space<hbm>>
        tpu.enqueue_indirect_dma source(%dma_start3A_135 : memref<20000x144xf32, #tpu.memory_space<hbm>>) target(%arg15 : memref<112x144xf32, #tpu.memory_space<vmem>>) offsets(%arg9 : memref<112xi32, #tpu.memory_space<vmem>>) semaphore(%arg23 : memref<!tpu.dma_semaphore, #tpu.memory_space<semaphore_mem>>)
        %dma_start3A_136 = arith.constant 0 : i32
        %dma_start3A_137 = arith.constant 0 : i32
        %dma_start3A_138 = tpu.memref_slice %arg3[%dma_start3A_136, %dma_start3A_137] : memref<20224x16xf32, #tpu.memory_space<hbm>> -> memref<20224x16xf32, #tpu.memory_space<hbm>>
        tpu.enqueue_indirect_dma source(%dma_start3A_138 : memref<20224x16xf32, #tpu.memory_space<hbm>>) target(%arg17 : memref<112x16xf32, #tpu.memory_space<vmem>>) offsets(%arg11 : memref<112xi32, #tpu.memory_space<vmem>>) semaphore(%arg23 : memref<!tpu.dma_semaphore, #tpu.memory_space<semaphore_mem>>)
      } else {
      }
      %dma_wait3A_102 = arith.constant 0 : i32
      %dma_wait3A_103 = arith.constant 0 : i32
      %dma_wait3A_104 = tpu.memref_slice %arg2[%dma_wait3A_102, %dma_wait3A_103] : memref<20000x144xf32, #tpu.memory_space<hbm>> -> memref<20000x144xf32, #tpu.memory_space<hbm>>
      tpu.wait_indirect_dma semaphore(%arg24 : memref<!tpu.dma_semaphore, #tpu.memory_space<semaphore_mem>>) src(%dma_wait3A_104 : memref<20000x144xf32, #tpu.memory_space<hbm>>) dst(%arg16 : memref<112x144xf32, #tpu.memory_space<vmem>>)
      %dma_wait3A_105 = arith.constant 0 : i32
      %dma_wait3A_106 = arith.constant 0 : i32
      %dma_wait3A_107 = tpu.memref_slice %arg3[%dma_wait3A_105, %dma_wait3A_106] : memref<20224x16xf32, #tpu.memory_space<hbm>> -> memref<20224x16xf32, #tpu.memory_space<hbm>>
      tpu.wait_indirect_dma semaphore(%arg24 : memref<!tpu.dma_semaphore, #tpu.memory_space<semaphore_mem>>) src(%dma_wait3A_107 : memref<20224x16xf32, #tpu.memory_space<hbm>>) dst(%arg18 : memref<112x16xf32, #tpu.memory_space<vmem>>)
      %parallel_loop3A_108 = arith.constant 0 : i32
      %parallel_loop3A_109 = arith.constant 112 : i32
      %parallel_loop3A_110 = arith.constant 16 : i32
      scf.for %parallel_loop3A_122 = %parallel_loop3A_108 to %parallel_loop3A_109 step %parallel_loop3A_110  : i32 {
        %parallel_loop3A_123 = arith.index_cast %parallel_loop3A_122 : i32 to index
        %parallel_loop3A_124 = tpu.vector_load %arg12[%parallel_loop3A_123] {strides = array<i32>} : memref<112xi32, #tpu.memory_space<vmem>>, vector<16xi32>,
        %parallel_loop3A_125 = vector.shape_cast %parallel_loop3A_124 : vector<16xi32> to vector<16xi32>
        %parallel_loop3A_126 = vector.broadcast %mul3A_0 : i32 to vector<16xi32>
        %parallel_loop3A_127 = arith.subi %parallel_loop3A_125, %parallel_loop3A_126 : vector<16xi32>
        %parallel_loop3A_128 = arith.index_cast %parallel_loop3A_122 : i32 to index
        %parallel_loop3A_129 = tpu.vector_load %arg14[%parallel_loop3A_128] {strides = array<i32>} : memref<112xi32, #tpu.memory_space<vmem>>, vector<16xi32>,
        %parallel_loop3A_130 = vector.shape_cast %parallel_loop3A_129 : vector<16xi32> to vector<16xi32>
        %parallel_loop3A_131 = vector.shape_cast %parallel_loop3A_127 : vector<16xi32> to vector<16xi32>
        tpu.vector_store %arg14[%parallel_loop3A_128], %parallel_loop3A_131 {strides = array<i32>} : memref<112xi32, #tpu.memory_space<vmem>>, vector<16xi32>,
      } {sc.loop_unroll_factor = 2 : i64, sc.parallel_access}
      %parallel_loop3A_111 = arith.constant 0 : i32
      %parallel_loop3A_112 = arith.constant 112 : i32
      %parallel_loop3A_113 = arith.constant 1 : i32
      scf.for %parallel_loop3A_122 = %parallel_loop3A_111 to %parallel_loop3A_112 step %parallel_loop3A_113  : i32 {
        %parallel_loop3A_123 = arith.index_cast %parallel_loop3A_122 : i32 to index
        %parallel_loop3A_124 = arith.constant 128 : index
        %parallel_loop3A_125 = tpu.vector_load %arg16[%parallel_loop3A_123, %parallel_loop3A_124] {strides = array<i32>} : memref<112x144xf32, #tpu.memory_space<vmem>>, vector<1x16xf32>,
        %parallel_loop3A_126 = vector.shape_cast %parallel_loop3A_125 : vector<1x16xf32> to vector<16xf32>
        %parallel_loop3A_127 = arith.index_cast %parallel_loop3A_122 : i32 to index
        %parallel_loop3A_128 = arith.constant 0 : index
        %parallel_loop3A_129 = tpu.vector_load %arg18[%parallel_loop3A_127, %parallel_loop3A_128] {strides = array<i32>} : memref<112x16xf32, #tpu.memory_space<vmem>>, vector<1x16xf32>,
        %parallel_loop3A_130 = vector.shape_cast %parallel_loop3A_129 : vector<1x16xf32> to vector<16xf32>
        %parallel_loop3A_131 = arith.addf %parallel_loop3A_126, %parallel_loop3A_130 : vector<16xf32>
        %parallel_loop3A_132 = arith.constant 2.000000e-01 : f32
        %parallel_loop3A_133 = vector.broadcast %parallel_loop3A_132 : f32 to vector<16xf32>
        %parallel_loop3A_134 = arith.mulf %parallel_loop3A_133, %parallel_loop3A_131 : vector<16xf32>
        %parallel_loop3A_135 = arith.maximumf %parallel_loop3A_131, %parallel_loop3A_134 : vector<16xf32>
        %parallel_loop3A_136 = arith.subf %parallel_loop3A_135, %get3A_10 : vector<16xf32>
        %parallel_loop3A_137 = math.exp %parallel_loop3A_136 : vector<16xf32>
        %parallel_loop3A_138 = arith.index_cast %parallel_loop3A_122 : i32 to index
        %parallel_loop3A_139 = arith.constant 128 : index
        %parallel_loop3A_140 = tpu.vector_load %arg16[%parallel_loop3A_138, %parallel_loop3A_139] {strides = array<i32>} : memref<112x144xf32, #tpu.memory_space<vmem>>, vector<1x16xf32>,
        %parallel_loop3A_141 = vector.shape_cast %parallel_loop3A_140 : vector<1x16xf32> to vector<16xf32>
        %parallel_loop3A_142 = vector.shape_cast %parallel_loop3A_137 : vector<16xf32> to vector<1x16xf32>
        tpu.vector_store %arg16[%parallel_loop3A_138, %parallel_loop3A_139], %parallel_loop3A_142 {strides = array<i32>} : memref<112x144xf32, #tpu.memory_space<vmem>>, vector<1x16xf32>,
        %parallel_loop3A_143 = arith.constant 0 : i32
        %parallel_loop3A_144 = vector.broadcast %parallel_loop3A_143 : i32 to vector<16xi32>
        %parallel_loop3A_145 = vector.shape_cast %parallel_loop3A_144 : vector<16xi32> to vector<16x1xi32>
        %parallel_loop3A_146 = vector.shape_cast %parallel_loop3A_145 : vector<16x1xi32> to vector<16xi32>
        %parallel_loop3A_147 = tpu.dynamic_gather %parallel_loop3A_137[%parallel_loop3A_146] in [0] : vector<16xf32>, vector<16xi32> -> vector<16xf32>
        %parallel_loop3A_148 = arith.index_cast %parallel_loop3A_122 : i32 to index
        %parallel_loop3A_149 = arith.constant 0 : index
        %parallel_loop3A_150 = tpu.vector_load %arg16[%parallel_loop3A_148, %parallel_loop3A_149] {strides = array<i32>} : memref<112x144xf32, #tpu.memory_space<vmem>>, vector<1x16xf32>,
        %parallel_loop3A_151 = vector.shape_cast %parallel_loop3A_150 : vector<1x16xf32> to vector<16xf32>
        %parallel_loop3A_152 = arith.mulf %parallel_loop3A_151, %parallel_loop3A_147 : vector<16xf32>
        %parallel_loop3A_153 = arith.index_cast %parallel_loop3A_122 : i32 to index
        %parallel_loop3A_154 = arith.constant 0 : index
        %parallel_loop3A_155 = tpu.vector_load %arg16[%parallel_loop3A_153, %parallel_loop3A_154] {strides = array<i32>} : memref<112x144xf32, #tpu.memory_space<vmem>>, vector<1x16xf32>,
        %parallel_loop3A_156 = vector.shape_cast %parallel_loop3A_155 : vector<1x16xf32> to vector<16xf32>
        %parallel_loop3A_157 = vector.shape_cast %parallel_loop3A_152 : vector<16xf32> to vector<1x16xf32>
        tpu.vector_store %arg16[%parallel_loop3A_153, %parallel_loop3A_154], %parallel_loop3A_157 {strides = array<i32>} : memref<112x144xf32, #tpu.memory_space<vmem>>, vector<1x16xf32>,
        %parallel_loop3A_158 = arith.constant 1 : i32
        %parallel_loop3A_159 = vector.broadcast %parallel_loop3A_158 : i32 to vector<16xi32>
        %parallel_loop3A_160 = vector.shape_cast %parallel_loop3A_159 : vector<16xi32> to vector<16x1xi32>
        %parallel_loop3A_161 = vector.shape_cast %parallel_loop3A_160 : vector<16x1xi32> to vector<16xi32>
        %parallel_loop3A_162 = tpu.dynamic_gather %parallel_loop3A_137[%parallel_loop3A_161] in [0] : vector<16xf32>, vector<16xi32> -> vector<16xf32>
        %parallel_loop3A_163 = arith.index_cast %parallel_loop3A_122 : i32 to index
        %parallel_loop3A_164 = arith.constant 16 : index
        %parallel_loop3A_165 = tpu.vector_load %arg16[%parallel_loop3A_163, %parallel_loop3A_164] {strides = array<i32>} : memref<112x144xf32, #tpu.memory_space<vmem>>, vector<1x16xf32>,
        %parallel_loop3A_166 = vector.shape_cast %parallel_loop3A_165 : vector<1x16xf32> to vector<16xf32>
        %parallel_loop3A_167 = arith.mulf %parallel_loop3A_166, %parallel_loop3A_162 : vector<16xf32>
        %parallel_loop3A_168 = arith.index_cast %parallel_loop3A_122 : i32 to index
        %parallel_loop3A_169 = arith.constant 16 : index
        %parallel_loop3A_170 = tpu.vector_load %arg16[%parallel_loop3A_168, %parallel_loop3A_169] {strides = array<i32>} : memref<112x144xf32, #tpu.memory_space<vmem>>, vector<1x16xf32>,
        %parallel_loop3A_171 = vector.shape_cast %parallel_loop3A_170 : vector<1x16xf32> to vector<16xf32>
        %parallel_loop3A_172 = vector.shape_cast %parallel_loop3A_167 : vector<16xf32> to vector<1x16xf32>
        tpu.vector_store %arg16[%parallel_loop3A_168, %parallel_loop3A_169], %parallel_loop3A_172 {strides = array<i32>} : memref<112x144xf32, #tpu.memory_space<vmem>>, vector<1x16xf32>,
        %parallel_loop3A_173 = arith.constant 2 : i32
        %parallel_loop3A_174 = vector.broadcast %parallel_loop3A_173 : i32 to vector<16xi32>
        %parallel_loop3A_175 = vector.shape_cast %parallel_loop3A_174 : vector<16xi32> to vector<16x1xi32>
        %parallel_loop3A_176 = vector.shape_cast %parallel_loop3A_175 : vector<16x1xi32> to vector<16xi32>
        %parallel_loop3A_177 = tpu.dynamic_gather %parallel_loop3A_137[%parallel_loop3A_176] in [0] : vector<16xf32>, vector<16xi32> -> vector<16xf32>
        %parallel_loop3A_178 = arith.index_cast %parallel_loop3A_122 : i32 to index
        %parallel_loop3A_179 = arith.constant 32 : index
        %parallel_loop3A_180 = tpu.vector_load %arg16[%parallel_loop3A_178, %parallel_loop3A_179] {strides = array<i32>} : memref<112x144xf32, #tpu.memory_space<vmem>>, vector<1x16xf32>,
        %parallel_loop3A_181 = vector.shape_cast %parallel_loop3A_180 : vector<1x16xf32> to vector<16xf32>
        %parallel_loop3A_182 = arith.mulf %parallel_loop3A_181, %parallel_loop3A_177 : vector<16xf32>
        %parallel_loop3A_183 = arith.index_cast %parallel_loop3A_122 : i32 to index
        %parallel_loop3A_184 = arith.constant 32 : index
        %parallel_loop3A_185 = tpu.vector_load %arg16[%parallel_loop3A_183, %parallel_loop3A_184] {strides = array<i32>} : memref<112x144xf32, #tpu.memory_space<vmem>>, vector<1x16xf32>,
        %parallel_loop3A_186 = vector.shape_cast %parallel_loop3A_185 : vector<1x16xf32> to vector<16xf32>
        %parallel_loop3A_187 = vector.shape_cast %parallel_loop3A_182 : vector<16xf32> to vector<1x16xf32>
        tpu.vector_store %arg16[%parallel_loop3A_183, %parallel_loop3A_184], %parallel_loop3A_187 {strides = array<i32>} : memref<112x144xf32, #tpu.memory_space<vmem>>, vector<1x16xf32>,
        %parallel_loop3A_188 = arith.constant 3 : i32
        %parallel_loop3A_189 = vector.broadcast %parallel_loop3A_188 : i32 to vector<16xi32>
        %parallel_loop3A_190 = vector.shape_cast %parallel_loop3A_189 : vector<16xi32> to vector<16x1xi32>
        %parallel_loop3A_191 = vector.shape_cast %parallel_loop3A_190 : vector<16x1xi32> to vector<16xi32>
        %parallel_loop3A_192 = tpu.dynamic_gather %parallel_loop3A_137[%parallel_loop3A_191] in [0] : vector<16xf32>, vector<16xi32> -> vector<16xf32>
        %parallel_loop3A_193 = arith.index_cast %parallel_loop3A_122 : i32 to index
        %parallel_loop3A_194 = arith.constant 48 : index
        %parallel_loop3A_195 = tpu.vector_load %arg16[%parallel_loop3A_193, %parallel_loop3A_194] {strides = array<i32>} : memref<112x144xf32, #tpu.memory_space<vmem>>, vector<1x16xf32>,
        %parallel_loop3A_196 = vector.shape_cast %parallel_loop3A_195 : vector<1x16xf32> to vector<16xf32>
        %parallel_loop3A_197 = arith.mulf %parallel_loop3A_196, %parallel_loop3A_192 : vector<16xf32>
        %parallel_loop3A_198 = arith.index_cast %parallel_loop3A_122 : i32 to index
        %parallel_loop3A_199 = arith.constant 48 : index
        %parallel_loop3A_200 = tpu.vector_load %arg16[%parallel_loop3A_198, %parallel_loop3A_199] {strides = array<i32>} : memref<112x144xf32, #tpu.memory_space<vmem>>, vector<1x16xf32>,
        %parallel_loop3A_201 = vector.shape_cast %parallel_loop3A_200 : vector<1x16xf32> to vector<16xf32>
        %parallel_loop3A_202 = vector.shape_cast %parallel_loop3A_197 : vector<16xf32> to vector<1x16xf32>
        tpu.vector_store %arg16[%parallel_loop3A_198, %parallel_loop3A_199], %parallel_loop3A_202 {strides = array<i32>} : memref<112x144xf32, #tpu.memory_space<vmem>>, vector<1x16xf32>,
        %parallel_loop3A_203 = arith.constant 4 : i32
        %parallel_loop3A_204 = vector.broadcast %parallel_loop3A_203 : i32 to vector<16xi32>
        %parallel_loop3A_205 = vector.shape_cast %parallel_loop3A_204 : vector<16xi32> to vector<16x1xi32>
        %parallel_loop3A_206 = vector.shape_cast %parallel_loop3A_205 : vector<16x1xi32> to vector<16xi32>
        %parallel_loop3A_207 = tpu.dynamic_gather %parallel_loop3A_137[%parallel_loop3A_206] in [0] : vector<16xf32>, vector<16xi32> -> vector<16xf32>
        %parallel_loop3A_208 = arith.index_cast %parallel_loop3A_122 : i32 to index
        %parallel_loop3A_209 = arith.constant 64 : index
        %parallel_loop3A_210 = tpu.vector_load %arg16[%parallel_loop3A_208, %parallel_loop3A_209] {strides = array<i32>} : memref<112x144xf32, #tpu.memory_space<vmem>>, vector<1x16xf32>,
        %parallel_loop3A_211 = vector.shape_cast %parallel_loop3A_210 : vector<1x16xf32> to vector<16xf32>
        %parallel_loop3A_212 = arith.mulf %parallel_loop3A_211, %parallel_loop3A_207 : vector<16xf32>
        %parallel_loop3A_213 = arith.index_cast %parallel_loop3A_122 : i32 to index
        %parallel_loop3A_214 = arith.constant 64 : index
        %parallel_loop3A_215 = tpu.vector_load %arg16[%parallel_loop3A_213, %parallel_loop3A_214] {strides = array<i32>} : memref<112x144xf32, #tpu.memory_space<vmem>>, vector<1x16xf32>,
        %parallel_loop3A_216 = vector.shape_cast %parallel_loop3A_215 : vector<1x16xf32> to vector<16xf32>
        %parallel_loop3A_217 = vector.shape_cast %parallel_loop3A_212 : vector<16xf32> to vector<1x16xf32>
        tpu.vector_store %arg16[%parallel_loop3A_213, %parallel_loop3A_214], %parallel_loop3A_217 {strides = array<i32>} : memref<112x144xf32, #tpu.memory_space<vmem>>, vector<1x16xf32>,
        %parallel_loop3A_218 = arith.constant 5 : i32
        %parallel_loop3A_219 = vector.broadcast %parallel_loop3A_218 : i32 to vector<16xi32>
        %parallel_loop3A_220 = vector.shape_cast %parallel_loop3A_219 : vector<16xi32> to vector<16x1xi32>
        %parallel_loop3A_221 = vector.shape_cast %parallel_loop3A_220 : vector<16x1xi32> to vector<16xi32>
        %parallel_loop3A_222 = tpu.dynamic_gather %parallel_loop3A_137[%parallel_loop3A_221] in [0] : vector<16xf32>, vector<16xi32> -> vector<16xf32>
        %parallel_loop3A_223 = arith.index_cast %parallel_loop3A_122 : i32 to index
        %parallel_loop3A_224 = arith.constant 80 : index
        %parallel_loop3A_225 = tpu.vector_load %arg16[%parallel_loop3A_223, %parallel_loop3A_224] {strides = array<i32>} : memref<112x144xf32, #tpu.memory_space<vmem>>, vector<1x16xf32>,
        %parallel_loop3A_226 = vector.shape_cast %parallel_loop3A_225 : vector<1x16xf32> to vector<16xf32>
        %parallel_loop3A_227 = arith.mulf %parallel_loop3A_226, %parallel_loop3A_222 : vector<16xf32>
        %parallel_loop3A_228 = arith.index_cast %parallel_loop3A_122 : i32 to index
        %parallel_loop3A_229 = arith.constant 80 : index
        %parallel_loop3A_230 = tpu.vector_load %arg16[%parallel_loop3A_228, %parallel_loop3A_229] {strides = array<i32>} : memref<112x144xf32, #tpu.memory_space<vmem>>, vector<1x16xf32>,
        %parallel_loop3A_231 = vector.shape_cast %parallel_loop3A_230 : vector<1x16xf32> to vector<16xf32>
        %parallel_loop3A_232 = vector.shape_cast %parallel_loop3A_227 : vector<16xf32> to vector<1x16xf32>
        tpu.vector_store %arg16[%parallel_loop3A_228, %parallel_loop3A_229], %parallel_loop3A_232 {strides = array<i32>} : memref<112x144xf32, #tpu.memory_space<vmem>>, vector<1x16xf32>,
        %parallel_loop3A_233 = arith.constant 6 : i32
        %parallel_loop3A_234 = vector.broadcast %parallel_loop3A_233 : i32 to vector<16xi32>
        %parallel_loop3A_235 = vector.shape_cast %parallel_loop3A_234 : vector<16xi32> to vector<16x1xi32>
        %parallel_loop3A_236 = vector.shape_cast %parallel_loop3A_235 : vector<16x1xi32> to vector<16xi32>
        %parallel_loop3A_237 = tpu.dynamic_gather %parallel_loop3A_137[%parallel_loop3A_236] in [0] : vector<16xf32>, vector<16xi32> -> vector<16xf32>
        %parallel_loop3A_238 = arith.index_cast %parallel_loop3A_122 : i32 to index
        %parallel_loop3A_239 = arith.constant 96 : index
        %parallel_loop3A_240 = tpu.vector_load %arg16[%parallel_loop3A_238, %parallel_loop3A_239] {strides = array<i32>} : memref<112x144xf32, #tpu.memory_space<vmem>>, vector<1x16xf32>,
        %parallel_loop3A_241 = vector.shape_cast %parallel_loop3A_240 : vector<1x16xf32> to vector<16xf32>
        %parallel_loop3A_242 = arith.mulf %parallel_loop3A_241, %parallel_loop3A_237 : vector<16xf32>
        %parallel_loop3A_243 = arith.index_cast %parallel_loop3A_122 : i32 to index
        %parallel_loop3A_244 = arith.constant 96 : index
        %parallel_loop3A_245 = tpu.vector_load %arg16[%parallel_loop3A_243, %parallel_loop3A_244] {strides = array<i32>} : memref<112x144xf32, #tpu.memory_space<vmem>>, vector<1x16xf32>,
        %parallel_loop3A_246 = vector.shape_cast %parallel_loop3A_245 : vector<1x16xf32> to vector<16xf32>
        %parallel_loop3A_247 = vector.shape_cast %parallel_loop3A_242 : vector<16xf32> to vector<1x16xf32>
        tpu.vector_store %arg16[%parallel_loop3A_243, %parallel_loop3A_244], %parallel_loop3A_247 {strides = array<i32>} : memref<112x144xf32, #tpu.memory_space<vmem>>, vector<1x16xf32>,
        %parallel_loop3A_248 = arith.constant 7 : i32
        %parallel_loop3A_249 = vector.broadcast %parallel_loop3A_248 : i32 to vector<16xi32>
        %parallel_loop3A_250 = vector.shape_cast %parallel_loop3A_249 : vector<16xi32> to vector<16x1xi32>
        %parallel_loop3A_251 = vector.shape_cast %parallel_loop3A_250 : vector<16x1xi32> to vector<16xi32>
        %parallel_loop3A_252 = tpu.dynamic_gather %parallel_loop3A_137[%parallel_loop3A_251] in [0] : vector<16xf32>, vector<16xi32> -> vector<16xf32>
        %parallel_loop3A_253 = arith.index_cast %parallel_loop3A_122 : i32 to index
        %parallel_loop3A_254 = arith.constant 112 : index
        %parallel_loop3A_255 = tpu.vector_load %arg16[%parallel_loop3A_253, %parallel_loop3A_254] {strides = array<i32>} : memref<112x144xf32, #tpu.memory_space<vmem>>, vector<1x16xf32>,
        %parallel_loop3A_256 = vector.shape_cast %parallel_loop3A_255 : vector<1x16xf32> to vector<16xf32>
        %parallel_loop3A_257 = arith.mulf %parallel_loop3A_256, %parallel_loop3A_252 : vector<16xf32>
        %parallel_loop3A_258 = arith.index_cast %parallel_loop3A_122 : i32 to index
        %parallel_loop3A_259 = arith.constant 112 : index
        %parallel_loop3A_260 = tpu.vector_load %arg16[%parallel_loop3A_258, %parallel_loop3A_259] {strides = array<i32>} : memref<112x144xf32, #tpu.memory_space<vmem>>, vector<1x16xf32>,
        %parallel_loop3A_261 = vector.shape_cast %parallel_loop3A_260 : vector<1x16xf32> to vector<16xf32>
        %parallel_loop3A_262 = vector.shape_cast %parallel_loop3A_257 : vector<16xf32> to vector<1x16xf32>
        tpu.vector_store %arg16[%parallel_loop3A_258, %parallel_loop3A_259], %parallel_loop3A_262 {strides = array<i32>} : memref<112x144xf32, #tpu.memory_space<vmem>>, vector<1x16xf32>,
      } {sc.loop_unroll_factor = 4 : i64, sc.parallel_access}
      %dma_start3A_114 = arith.constant 0 : i32
      %dma_start3A_115 = arith.constant 0 : i32
      %dma_start3A_116 = tpu.memref_slice %arg20[%dma_start3A_114, %dma_start3A_115] : memref<10112x144xf32, #tpu.memory_space<vmem_shared>> -> memref<10112x144xf32, #tpu.memory_space<vmem_shared>>
      tpu.enqueue_indirect_dma source(%arg16 : memref<112x144xf32, #tpu.memory_space<vmem>>) target(%dma_start3A_116 : memref<10112x144xf32, #tpu.memory_space<vmem_shared>>) offsets(%arg14 : memref<112xi32, #tpu.memory_space<vmem>>) semaphore(%arg26 : memref<!tpu.dma_semaphore, #tpu.memory_space<semaphore_mem>>) {add = true}
      %lt3A_117 = arith.constant 89 : i32
      %lt3A_118 = arith.cmpi slt, %add3A_64, %lt3A_117 : i32
      %convert_element_type3A_119 = arith.extui %lt3A_118 : i1 to i32
      %cond3A_120 = arith.constant 0 : i32
      %cond3A_121 = arith.cmpi ne, %convert_element_type3A_119, %cond3A_120 : i32
      scf.if %cond3A_121 {
        %add3A_122 = arith.constant 2 : i32
        %add3A_123 = arith.addi %add3A_96, %add3A_122 : i32
        %mul3A_124 = arith.constant 322560 : i32
        %mul3A_125 = arith.muli %arg0, %mul3A_124 : i32
        %mul3A_126 = arith.constant 16 : i32
        %mul3A_127 = arith.muli %add3A_123, %mul3A_126 : i32
        %add3A_128 = arith.addi %arg1, %mul3A_127 : i32
        %mul3A_129 = arith.constant 112 : i32
        %mul3A_130 = arith.muli %add3A_128, %mul3A_129 : i32
        %add3A_131 = arith.addi %mul3A_125, %mul3A_130 : i32
        %dma_start3A_132 = tpu.memref_slice %arg4[%add3A_131] : memref<645120xi32, #tpu.memory_space<hbm>> -> memref<112xi32, #tpu.memory_space<hbm>>
        %dma_start3A_133 = tpu.memref_slice %arg4[%add3A_131] : memref<645120xi32, #tpu.memory_space<hbm>> -> memref<112xi32, #tpu.memory_space<hbm>>
        tpu.enqueue_dma source(%dma_start3A_133 : memref<112xi32, #tpu.memory_space<hbm>>) target(%arg10 : memref<112xi32, #tpu.memory_space<vmem>>) target_semaphore(%arg22 : memref<!tpu.dma_semaphore, #tpu.memory_space<semaphore_mem>>)
        %dma_start3A_134 = tpu.memref_slice %arg5[%add3A_131] : memref<645120xi32, #tpu.memory_space<hbm>> -> memref<112xi32, #tpu.memory_space<hbm>>
        %dma_start3A_135 = tpu.memref_slice %arg5[%add3A_131] : memref<645120xi32, #tpu.memory_space<hbm>> -> memref<112xi32, #tpu.memory_space<hbm>>
        tpu.enqueue_dma source(%dma_start3A_135 : memref<112xi32, #tpu.memory_space<hbm>>) target(%arg12 : memref<112xi32, #tpu.memory_space<vmem>>) target_semaphore(%arg22 : memref<!tpu.dma_semaphore, #tpu.memory_space<semaphore_mem>>)
      } else {
      }
    }
    %scan3A_47 = arith.constant 90 : i32
    %dma_wait3A_48 = arith.constant 0 : i32
    %dma_wait3A_49 = arith.constant 0 : i32
    %dma_wait3A_50 = tpu.memref_slice %arg20[%dma_wait3A_48, %dma_wait3A_49] : memref<10112x144xf32, #tpu.memory_space<vmem_shared>> -> memref<10112x144xf32, #tpu.memory_space<vmem_shared>>
    tpu.wait_indirect_dma semaphore(%arg25 : memref<!tpu.dma_semaphore, #tpu.memory_space<semaphore_mem>>) src(%arg15 : memref<112x144xf32, #tpu.memory_space<vmem>>) dst(%dma_wait3A_50 : memref<10112x144xf32, #tpu.memory_space<vmem_shared>>)
    %dma_wait3A_51 = arith.constant 0 : i32
    %dma_wait3A_52 = arith.constant 0 : i32
    %dma_wait3A_53 = tpu.memref_slice %arg20[%dma_wait3A_51, %dma_wait3A_52] : memref<10112x144xf32, #tpu.memory_space<vmem_shared>> -> memref<10112x144xf32, #tpu.memory_space<vmem_shared>>
    tpu.wait_indirect_dma semaphore(%arg26 : memref<!tpu.dma_semaphore, #tpu.memory_space<semaphore_mem>>) src(%arg16 : memref<112x144xf32, #tpu.memory_space<vmem>>) dst(%dma_wait3A_53 : memref<10112x144xf32, #tpu.memory_space<vmem_shared>>)
    %barrier3A_54 = arith.constant 0 : index
    tpu.barrier barrier_id(%barrier3A_54)
    %mul3A_55 = arith.constant 632 : i32
    %mul3A_56 = arith.muli %arg1, %mul3A_55 : i32
    %mul3A_57 = arith.constant 632 : i32
    %mul3A_58 = arith.muli %arg1, %mul3A_57 : i32
    %add3A_59 = arith.addi %mul3A_2, %mul3A_58 : i32
    "tpu.region"() ({
      %run_scoped3A = tpu.sem_alloc : memref<!tpu.dma_semaphore, #tpu.memory_space<semaphore_mem>>
      %dma_start3A_60 = arith.constant 0 : i32
      %dma_start3A_61 = tpu.memref_slice %arg8[%add3A_59, %dma_start3A_60] : memref<20224x144xf32, #tpu.memory_space<hbm>> -> memref<632x144xf32, #tpu.memory_space<hbm>>
      %dma_start3A_62 = arith.constant 0 : i32
      %dma_start3A_63 = tpu.memref_slice %arg20[%mul3A_56, %dma_start3A_62] : memref<10112x144xf32, #tpu.memory_space<vmem_shared>> -> memref<632x144xf32, #tpu.memory_space<vmem_shared>>
      tpu.enqueue_dma source(%dma_start3A_63 : memref<632x144xf32, #tpu.memory_space<vmem_shared>>) target(%dma_start3A_61 : memref<632x144xf32, #tpu.memory_space<hbm>>) target_semaphore(%run_scoped3A : memref<!tpu.dma_semaphore, #tpu.memory_space<semaphore_mem>>)
      %dma_wait3A_64 = arith.constant 0 : i32
      %dma_wait3A_65 = tpu.memref_slice %arg8[%add3A_59, %dma_wait3A_64] : memref<20224x144xf32, #tpu.memory_space<hbm>> -> memref<632x144xf32, #tpu.memory_space<hbm>>
      %dma_wait3A_66 = arith.constant 0 : i32
      %dma_wait3A_67 = tpu.memref_slice %arg20[%mul3A_56, %dma_wait3A_66] : memref<10112x144xf32, #tpu.memory_space<vmem_shared>> -> memref<632x144xf32, #tpu.memory_space<vmem_shared>>
      tpu.wait_dma2 semaphore(%run_scoped3A : memref<!tpu.dma_semaphore, #tpu.memory_space<semaphore_mem>>) src(%dma_wait3A_67 : memref<632x144xf32, #tpu.memory_space<vmem_shared>>) dst(%dma_wait3A_65 : memref<632x144xf32, #tpu.memory_space<hbm>>)
      tpu.yield
    }) : () -> ()
    return
  }
}

module attributes {stable_mosaic.version = 14 : i64} {
  func.func @_front_body(%arg0: i32, %arg1: memref<10000x128xf32, #tpu.memory_space<vmem>>, %arg2: memref<1x128x128xf32, #tpu.memory_space<vmem>>, %arg3: memref<1x128x32xf32, #tpu.memory_space<vmem>>, %arg4: memref<1x10000x144xf32, #tpu.memory_space<vmem>>, %arg5: memref<1x10000x16xf32, #tpu.memory_space<vmem>>, %arg6: memref<1x1x16xf32, #tpu.memory_space<vmem>>) attributes {dimension_semantics = [#tpu.dimension_semantics<arbitrary>], iteration_bounds = array<i64: 2>, scalar_prefetch = 0 : i64, scratch_operands = 0 : i64, tpu.core_type = #tpu.core_type<tc>, window_params = [{pipeline_mode = #tpu.pipeline_mode<synchronous>, transform_indices = @transform_0, window_bounds = array<i64: 10000, 128>}, {transform_indices = @transform_1, window_bounds = array<i64: 1, 128, 128>}, {transform_indices = @transform_2, window_bounds = array<i64: 1, 128, 32>}, {transform_indices = @transform_3, window_bounds = array<i64: 1, 10000, 144>}, {transform_indices = @transform_4, window_bounds = array<i64: 1, 10000, 16>}, {transform_indices = @transform_5, window_bounds = array<i64: 1, 1, 16>}]} {
    %get3A = arith.constant 0 : index
    %get3A_0 = arith.constant 0 : index
    %get3A_1 = arith.constant 0 : index
    %get3A_2 = vector.load %arg2[%get3A, %get3A_0, %get3A_1] : memref<1x128x128xf32, #tpu.memory_space<vmem>>, vector<1x128x128xf32>
    %get3A_3 = vector.shape_cast %get3A_2 : vector<1x128x128xf32> to vector<128x128xf32>
    %get3A_4 = arith.constant 0 : index
    %get3A_5 = arith.constant 0 : index
    %get3A_6 = arith.constant 0 : index
    %get3A_7 = vector.load %arg3[%get3A_4, %get3A_5, %get3A_6] : memref<1x128x32xf32, #tpu.memory_space<vmem>>, vector<1x128x32xf32>
    %get3A_8 = vector.shape_cast %get3A_7 : vector<1x128x32xf32> to vector<128x32xf32>
    %get3A_9 = arith.constant 0 : index
    %get3A_10 = arith.constant 0 : index
    %get3A_11 = vector.load %arg1[%get3A_9, %get3A_10] : memref<10000x128xf32, #tpu.memory_space<vmem>>, vector<10000x128xf32>
    %dot_general3A = arith.constant dense<0.000000e+00> : vector<10000x128xf32>
    %dot_general3A_12 = tpu.matmul %get3A_11, %get3A_3, %dot_general3A {dimension_numbers = #tpu.dot_dimension_numbers<[1], [0], [0], [1], [0, 0, 1, 1], [], []>, transpose_lhs_hint = false} : vector<10000x128xf32>, vector<128x128xf32>, vector<10000x128xf32> -> vector<10000x128xf32>
    %dot_general3A_13 = arith.constant dense<0.000000e+00> : vector<10000x32xf32>
    %dot_general3A_14 = tpu.matmul %dot_general3A_12, %get3A_8, %dot_general3A_13 {dimension_numbers = #tpu.dot_dimension_numbers<[1], [0], [0], [1], [0, 0, 1, 1], [], []>, transpose_lhs_hint = false} : vector<10000x128xf32>, vector<128x32xf32>, vector<10000x32xf32> -> vector<10000x32xf32>
    %slice3A = vector.extract_strided_slice %dot_general3A_14 {offsets = [0, 0], sizes = [10000, 16], strides = [1, 1]} : vector<10000x32xf32> to vector<10000x16xf32>
    %slice3A_15 = vector.extract_strided_slice %dot_general3A_14 {offsets = [0, 16], sizes = [10000, 16], strides = [1, 1]} : vector<10000x32xf32> to vector<10000x16xf32>
    %concatenate3A = tpu.concatenate %dot_general3A_12, %slice3A in 1 : vector<10000x128xf32>, vector<10000x16xf32> -> vector<10000x144xf32>
    %swap3A = arith.constant 0 : index
    %swap3A_16 = arith.constant 0 : index
    %swap3A_17 = arith.constant 0 : index
    %swap3A_18 = vector.load %arg4[%swap3A, %swap3A_16, %swap3A_17] : memref<1x10000x144xf32, #tpu.memory_space<vmem>>, vector<1x10000x144xf32>
    %swap3A_19 = vector.shape_cast %swap3A_18 : vector<1x10000x144xf32> to vector<10000x144xf32>
    %swap3A_20 = vector.shape_cast %concatenate3A : vector<10000x144xf32> to vector<1x10000x144xf32>
    tpu.vector_store %arg4[%swap3A, %swap3A_16, %swap3A_17], %swap3A_20 {strides = array<i32>} : memref<1x10000x144xf32, #tpu.memory_space<vmem>>, vector<1x10000x144xf32>,
    %swap3A_21 = arith.constant 0 : index
    %swap3A_22 = arith.constant 0 : index
    %swap3A_23 = arith.constant 0 : index
    %swap3A_24 = vector.load %arg5[%swap3A_21, %swap3A_22, %swap3A_23] : memref<1x10000x16xf32, #tpu.memory_space<vmem>>, vector<1x10000x16xf32>
    %swap3A_25 = vector.shape_cast %swap3A_24 : vector<1x10000x16xf32> to vector<10000x16xf32>
    %swap3A_26 = vector.shape_cast %slice3A_15 : vector<10000x16xf32> to vector<1x10000x16xf32>
    tpu.vector_store %arg5[%swap3A_21, %swap3A_22, %swap3A_23], %swap3A_26 {strides = array<i32>} : memref<1x10000x16xf32, #tpu.memory_space<vmem>>, vector<1x10000x16xf32>,
    %reduce_max3A = arith.constant dense<0xFF800000> : vector<16xf32>
    %reduce_max3A_27 = vector.multi_reduction <maximumf>, %slice3A, %reduce_max3A [0] : vector<10000x16xf32> to vector<16xf32>
    %reduce_max3A_28 = arith.constant dense<0xFF800000> : vector<16xf32>
    %reduce_max3A_29 = vector.multi_reduction <maximumf>, %slice3A_15, %reduce_max3A_28 [0] : vector<10000x16xf32> to vector<16xf32>
    %add3A = arith.addf %reduce_max3A_27, %reduce_max3A_29 : vector<16xf32>
    %swap3A_30 = arith.constant 0 : index
    %swap3A_31 = arith.constant 0 : index
    %swap3A_32 = arith.constant 0 : index
    %swap3A_33 = vector.load %arg6[%swap3A_30, %swap3A_31, %swap3A_32] : memref<1x1x16xf32, #tpu.memory_space<vmem>>, vector<1x1x16xf32>
    %swap3A_34 = vector.shape_cast %swap3A_33 : vector<1x1x16xf32> to vector<16xf32>
    %swap3A_35 = vector.shape_cast %add3A : vector<16xf32> to vector<1x1x16xf32>
    tpu.vector_store %arg6[%swap3A_30, %swap3A_31, %swap3A_32], %swap3A_35 {strides = array<i32>} : memref<1x1x16xf32, #tpu.memory_space<vmem>>, vector<1x1x16xf32>,
    return
  }
  func.func @transform_0(%arg0: i32) -> (i32, i32) {
    %c0_i32 = arith.constant 0 : i32
    %c0_i32_0 = arith.constant 0 : i32
    %c0_i32_1 = arith.constant 0 : i32
    return %c0_i32, %c0_i32_0 : i32, i32
  }
  func.func @transform_1(%arg0: i32) -> (i32, i32, i32) {
    %c0_i32 = arith.constant 0 : i32
    %c0_i32_0 = arith.constant 0 : i32
    %c0_i32_1 = arith.constant 0 : i32
    return %arg0, %c0_i32, %c0_i32_0 : i32, i32, i32
  }
  func.func @transform_2(%arg0: i32) -> (i32, i32, i32) {
    %c0_i32 = arith.constant 0 : i32
    %c0_i32_0 = arith.constant 0 : i32
    %c0_i32_1 = arith.constant 0 : i32
    return %arg0, %c0_i32, %c0_i32_0 : i32, i32, i32
  }
  func.func @transform_3(%arg0: i32) -> (i32, i32, i32) {
    %c0_i32 = arith.constant 0 : i32
    %c0_i32_0 = arith.constant 0 : i32
    %c0_i32_1 = arith.constant 0 : i32
    return %arg0, %c0_i32, %c0_i32_0 : i32, i32, i32
  }
  func.func @transform_4(%arg0: i32) -> (i32, i32, i32) {
    %c0_i32 = arith.constant 0 : i32
    %c0_i32_0 = arith.constant 0 : i32
    %c0_i32_1 = arith.constant 0 : i32
    return %arg0, %c0_i32, %c0_i32_0 : i32, i32, i32
  }
  func.func @transform_5(%arg0: i32) -> (i32, i32, i32) {
    %c0_i32 = arith.constant 0 : i32
    %c0_i32_0 = arith.constant 0 : i32
    %c0_i32_1 = arith.constant 0 : i32
    return %arg0, %c0_i32, %c0_i32_0 : i32, i32, i32
  }
}

module attributes {stable_mosaic.version = 14 : i64} {
  func.func @_e1_body(%arg0: i32, %arg1: i32, %arg2: memref<1x2000x144xf32, #tpu.memory_space<vmem>>, %arg3: memref<16x128xf32, #tpu.memory_space<vmem>>, %arg4: memref<128x128xf32, #tpu.memory_space<vmem>>, %arg5: memref<1x128xf32, #tpu.memory_space<vmem>>, %arg6: memref<128x1xf32, #tpu.memory_space<vmem>>, %arg7: memref<1x2000x128xf32, #tpu.memory_space<vmem>>, %arg8: memref<1x1x1xf32, #tpu.memory_space<vmem>>) attributes {dimension_semantics = [#tpu.dimension_semantics<arbitrary>, #tpu.dimension_semantics<arbitrary>], iteration_bounds = array<i64: 2, 5>, scalar_prefetch = 0 : i64, scratch_operands = 0 : i64, tpu.core_type = #tpu.core_type<tc>, window_params = [{transform_indices = @transform_0, window_bounds = array<i64: 1, 2000, 144>}, {pipeline_mode = #tpu.pipeline_mode<synchronous>, transform_indices = @transform_1, window_bounds = array<i64: 16, 128>}, {pipeline_mode = #tpu.pipeline_mode<synchronous>, transform_indices = @transform_2, window_bounds = array<i64: 128, 128>}, {pipeline_mode = #tpu.pipeline_mode<synchronous>, transform_indices = @transform_3, window_bounds = array<i64: 1, 128>}, {pipeline_mode = #tpu.pipeline_mode<synchronous>, transform_indices = @transform_4, window_bounds = array<i64: 128, 1>}, {transform_indices = @transform_5, window_bounds = array<i64: 1, 2000, 128>}, {transform_indices = @transform_6, window_bounds = array<i64: 1, 1, 1>}]} {
    %get3A = arith.constant 0 : index
    %get3A_0 = arith.constant 0 : index
    %get3A_1 = arith.constant 0 : index
    %get3A_2 = vector.load %arg2[%get3A, %get3A_0, %get3A_1] : memref<1x2000x144xf32, #tpu.memory_space<vmem>>, vector<1x2000x144xf32>
    %get3A_3 = vector.shape_cast %get3A_2 : vector<1x2000x144xf32> to vector<2000x144xf32>
    %slice3A = vector.extract_strided_slice %get3A_3 {offsets = [0, 0], sizes = [2000, 128], strides = [1, 1]} : vector<2000x144xf32> to vector<2000x128xf32>
    %slice3A_4 = vector.extract_strided_slice %get3A_3 {offsets = [0, 128], sizes = [2000, 16], strides = [1, 1]} : vector<2000x144xf32> to vector<2000x16xf32>
    %get3A_5 = arith.constant 0 : index
    %get3A_6 = arith.constant 0 : index
    %get3A_7 = vector.load %arg3[%get3A_5, %get3A_6] : memref<16x128xf32, #tpu.memory_space<vmem>>, vector<16x128xf32>
    %dot_general3A = arith.constant dense<0.000000e+00> : vector<2000x128xf32>
    %dot_general3A_8 = tpu.matmul %slice3A_4, %get3A_7, %dot_general3A {dimension_numbers = #tpu.dot_dimension_numbers<[1], [0], [0], [1], [0, 0, 1, 1], [], []>, transpose_lhs_hint = false} : vector<2000x16xf32>, vector<16x128xf32>, vector<2000x128xf32> -> vector<2000x128xf32>
    %max3A = arith.constant 9.99999971E-10 : f32
    %max3A_9 = vector.broadcast %max3A : f32 to vector<2000x128xf32>
    %max3A_10 = arith.maximumf %dot_general3A_8, %max3A_9 : vector<2000x128xf32>
    %div3A = arith.divf %slice3A, %max3A_10 : vector<2000x128xf32>
    %gt3A = arith.constant 0.000000e+00 : f32
    %gt3A_11 = vector.broadcast %gt3A : f32 to vector<2000x128xf32>
    %gt3A_12 = arith.cmpf ogt, %div3A, %gt3A_11 : vector<2000x128xf32>
    %min3A = arith.constant 0.000000e+00 : f32
    %min3A_13 = vector.broadcast %min3A : f32 to vector<2000x128xf32>
    %min3A_14 = arith.minimumf %div3A, %min3A_13 : vector<2000x128xf32>
    %exp3A = math.exp %min3A_14 : vector<2000x128xf32>
    %sub3A = arith.constant 1.000000e+00 : f32
    %sub3A_15 = vector.broadcast %sub3A : f32 to vector<2000x128xf32>
    %sub3A_16 = arith.subf %exp3A, %sub3A_15 : vector<2000x128xf32>
    %select_n3A = arith.select %gt3A_12, %div3A, %sub3A_16 : vector<2000x128xi1>, vector<2000x128xf32>
    %swap3A = arith.constant 0 : index
    %swap3A_17 = arith.constant 0 : index
    %swap3A_18 = arith.constant 0 : index
    %swap3A_19 = vector.load %arg7[%swap3A, %swap3A_17, %swap3A_18] : memref<1x2000x128xf32, #tpu.memory_space<vmem>>, vector<1x2000x128xf32>
    %swap3A_20 = vector.shape_cast %swap3A_19 : vector<1x2000x128xf32> to vector<2000x128xf32>
    %swap3A_21 = vector.shape_cast %select_n3A : vector<2000x128xf32> to vector<1x2000x128xf32>
    tpu.vector_store %arg7[%swap3A, %swap3A_17, %swap3A_18], %swap3A_21 {strides = array<i32>} : memref<1x2000x128xf32, #tpu.memory_space<vmem>>, vector<1x2000x128xf32>,
    %get3A_22 = arith.constant 0 : index
    %get3A_23 = arith.constant 0 : index
    %get3A_24 = vector.load %arg4[%get3A_22, %get3A_23] : memref<128x128xf32, #tpu.memory_space<vmem>>, vector<128x128xf32>
    %dot_general3A_25 = arith.constant dense<0.000000e+00> : vector<2000x128xf32>
    %dot_general3A_26 = tpu.matmul %select_n3A, %get3A_24, %dot_general3A_25 {dimension_numbers = #tpu.dot_dimension_numbers<[1], [0], [0], [1], [0, 0, 1, 1], [], []>, transpose_lhs_hint = false} : vector<2000x128xf32>, vector<128x128xf32>, vector<2000x128xf32> -> vector<2000x128xf32>
    %get3A_27 = arith.constant 0 : index
    %get3A_28 = arith.constant 0 : index
    %get3A_29 = vector.load %arg5[%get3A_27, %get3A_28] : memref<1x128xf32, #tpu.memory_space<vmem>>, vector<1x128xf32>
    %add3A = vector.broadcast %get3A_29 : vector<1x128xf32> to vector<2000x128xf32>
    %add3A_30 = arith.addf %dot_general3A_26, %add3A : vector<2000x128xf32>
    %tanh3A = math.tanh %add3A_30 : vector<2000x128xf32>
    %get3A_31 = arith.constant 0 : index
    %get3A_32 = arith.constant 0 : index
    %get3A_33 = vector.load %arg6[%get3A_31, %get3A_32] : memref<128x1xf32, #tpu.memory_space<vmem>>, vector<128x1xf32>
    %dot_general3A_34 = arith.constant dense<0.000000e+00> : vector<2000x1xf32>
    %dot_general3A_35 = tpu.matmul %tanh3A, %get3A_33, %dot_general3A_34 {dimension_numbers = #tpu.dot_dimension_numbers<[1], [0], [0], [1], [0, 0, 1, 1], [], []>, transpose_lhs_hint = false} : vector<2000x128xf32>, vector<128x1xf32>, vector<2000x1xf32> -> vector<2000x1xf32>
    %reduce_sum3A = vector.shape_cast %dot_general3A_35 : vector<2000x1xf32> to vector<1x2000x1xf32>
    %reduce_sum3A_36 = arith.constant dense<0.000000e+00> : vector<1xf32>
    %reduce_sum3A_37 = vector.multi_reduction <add>, %reduce_sum3A, %reduce_sum3A_36 [1, 2] : vector<1x2000x1xf32> to vector<1xf32>
    %reduce_sum3A_38 = vector.shape_cast %reduce_sum3A_37 : vector<1xf32> to vector<1x1x1xf32>
    %reduce_sum3A_39 = vector.extract %reduce_sum3A_38[0, 0, 0] : f32 from vector<1x1x1xf32>
    %reshape3A = vector.broadcast %reduce_sum3A_39 : f32 to vector<1x1x1xf32>
    %eq3A = arith.constant 0 : i32
    %eq3A_40 = arith.cmpi eq, %arg1, %eq3A : i32
    %convert_element_type3A = arith.extui %eq3A_40 : i1 to i32
    %cond3A = arith.constant 0 : i32
    %cond3A_41 = arith.cmpi ne, %convert_element_type3A, %cond3A : i32
    scf.if %cond3A_41 {
      %swap3A_47 = arith.constant 0 : index
      %swap3A_48 = arith.constant 0 : index
      %swap3A_49 = arith.constant 0 : index
      %swap3A_50 = vector.load %arg8[%swap3A_47, %swap3A_48, %swap3A_49] : memref<1x1x1xf32, #tpu.memory_space<vmem>>, vector<1x1x1xf32>
      tpu.vector_store %arg8[%swap3A_47, %swap3A_48, %swap3A_49], %reshape3A {strides = array<i32>} : memref<1x1x1xf32, #tpu.memory_space<vmem>>, vector<1x1x1xf32>,
    } else {
    }
    %gt3A_42 = arith.constant 0 : i32
    %gt3A_43 = arith.cmpi sgt, %arg1, %gt3A_42 : i32
    %convert_element_type3A_44 = arith.extui %gt3A_43 : i1 to i32
    %cond3A_45 = arith.constant 0 : i32
    %cond3A_46 = arith.cmpi ne, %convert_element_type3A_44, %cond3A_45 : i32
    scf.if %cond3A_46 {
      %get3A_47 = arith.constant 0 : index
      %get3A_48 = arith.constant 0 : index
      %get3A_49 = arith.constant 0 : index
      %get3A_50 = vector.load %arg8[%get3A_47, %get3A_48, %get3A_49] : memref<1x1x1xf32, #tpu.memory_space<vmem>>, vector<1x1x1xf32>
      %add3A_51 = arith.addf %get3A_50, %reshape3A : vector<1x1x1xf32>
      %swap3A_52 = arith.constant 0 : index
      %swap3A_53 = arith.constant 0 : index
      %swap3A_54 = arith.constant 0 : index
      %swap3A_55 = vector.load %arg8[%swap3A_52, %swap3A_53, %swap3A_54] : memref<1x1x1xf32, #tpu.memory_space<vmem>>, vector<1x1x1xf32>
      tpu.vector_store %arg8[%swap3A_52, %swap3A_53, %swap3A_54], %add3A_51 {strides = array<i32>} : memref<1x1x1xf32, #tpu.memory_space<vmem>>, vector<1x1x1xf32>,
    } else {
    }
    return
  }
  func.func @transform_0(%arg0: i32, %arg1: i32) -> (i32, i32, i32) {
    %c0_i32 = arith.constant 0 : i32
    %c0_i32_0 = arith.constant 0 : i32
    return %arg0, %arg1, %c0_i32 : i32, i32, i32
  }
  func.func @transform_1(%arg0: i32, %arg1: i32) -> (i32, i32) {
    %c0_i32 = arith.constant 0 : i32
    %c0_i32_0 = arith.constant 0 : i32
    %c0_i32_1 = arith.constant 0 : i32
    return %c0_i32, %c0_i32_0 : i32, i32
  }
  func.func @transform_2(%arg0: i32, %arg1: i32) -> (i32, i32) {
    %c0_i32 = arith.constant 0 : i32
    %c0_i32_0 = arith.constant 0 : i32
    %c0_i32_1 = arith.constant 0 : i32
    return %c0_i32, %c0_i32_0 : i32, i32
  }
  func.func @transform_3(%arg0: i32, %arg1: i32) -> (i32, i32) {
    %c0_i32 = arith.constant 0 : i32
    %c0_i32_0 = arith.constant 0 : i32
    %c0_i32_1 = arith.constant 0 : i32
    return %c0_i32, %c0_i32_0 : i32, i32
  }
  func.func @transform_4(%arg0: i32, %arg1: i32) -> (i32, i32) {
    %c0_i32 = arith.constant 0 : i32
    %c0_i32_0 = arith.constant 0 : i32
    %c0_i32_1 = arith.constant 0 : i32
    return %c0_i32, %c0_i32_0 : i32, i32
  }
  func.func @transform_5(%arg0: i32, %arg1: i32) -> (i32, i32, i32) {
    %c0_i32 = arith.constant 0 : i32
    %c0_i32_0 = arith.constant 0 : i32
    return %arg0, %arg1, %c0_i32 : i32, i32, i32
  }
  func.func @transform_6(%arg0: i32, %arg1: i32) -> (i32, i32, i32) {
    %c0_i32 = arith.constant 0 : i32
    %c0_i32_0 = arith.constant 0 : i32
    %c0_i32_1 = arith.constant 0 : i32
    return %arg0, %c0_i32, %c0_i32_0 : i32, i32, i32
  }
}

module attributes {stable_mosaic.version = 14 : i64} {
  func.func @_e2_body(%arg0: i32, %arg1: memref<1x2000x128xf32, #tpu.memory_space<vmem>>, %arg2: memref<1x2000x128xf32, #tpu.memory_space<vmem>>, %arg3: memref<2x1x1xf32, #tpu.memory_space<vmem>>, %arg4: memref<2000x128xf32, #tpu.memory_space<vmem>>) attributes {dimension_semantics = [#tpu.dimension_semantics<arbitrary>], iteration_bounds = array<i64: 5>, scalar_prefetch = 0 : i64, scratch_operands = 0 : i64, tpu.core_type = #tpu.core_type<tc>, window_params = [{transform_indices = @transform_0, window_bounds = array<i64: 1, 2000, 128>}, {transform_indices = @transform_1, window_bounds = array<i64: 1, 2000, 128>}, {pipeline_mode = #tpu.pipeline_mode<synchronous>, transform_indices = @transform_2, window_bounds = array<i64: 2, 1, 1>}, {transform_indices = @transform_3, window_bounds = array<i64: 2000, 128>}]} {
    %get3A = arith.constant 0 : index
    %get3A_0 = arith.constant 0 : index
    %get3A_1 = arith.constant 0 : index
    %get3A_2 = vector.load %arg3[%get3A, %get3A_0, %get3A_1] : memref<2x1x1xf32, #tpu.memory_space<vmem>>, vector<2x1x1xf32>
    %mul3A = arith.constant 9.99999974E-5 : f32
    %mul3A_3 = vector.broadcast %mul3A : f32 to vector<2x1x1xf32>
    %mul3A_4 = arith.mulf %get3A_2, %mul3A_3 : vector<2x1x1xf32>
    %reduce_max3A = vector.shape_cast %mul3A_4 : vector<2x1x1xf32> to vector<1x2x1x1xf32>
    %reduce_max3A_5 = arith.constant dense<0xFF800000> : vector<1xf32>
    %reduce_max3A_6 = vector.multi_reduction <maximumf>, %reduce_max3A, %reduce_max3A_5 [1, 2, 3] : vector<1x2x1x1xf32> to vector<1xf32>
    %reduce_max3A_7 = vector.shape_cast %reduce_max3A_6 : vector<1xf32> to vector<1x1x1x1xf32>
    %reduce_max3A_8 = vector.extract %reduce_max3A_7[0, 0, 0, 0] : f32 from vector<1x1x1x1xf32>
    %sub3A = vector.broadcast %reduce_max3A_8 : f32 to vector<2x1x1xf32>
    %sub3A_9 = arith.subf %mul3A_4, %sub3A : vector<2x1x1xf32>
    %exp3A = math.exp %sub3A_9 : vector<2x1x1xf32>
    %reduce_sum3A = vector.shape_cast %exp3A : vector<2x1x1xf32> to vector<1x2x1x1xf32>
    %reduce_sum3A_10 = arith.constant dense<0.000000e+00> : vector<1xf32>
    %reduce_sum3A_11 = vector.multi_reduction <add>, %reduce_sum3A, %reduce_sum3A_10 [1, 2, 3] : vector<1x2x1x1xf32> to vector<1xf32>
    %reduce_sum3A_12 = vector.shape_cast %reduce_sum3A_11 : vector<1xf32> to vector<1x1x1x1xf32>
    %reduce_sum3A_13 = vector.extract %reduce_sum3A_12[0, 0, 0, 0] : f32 from vector<1x1x1x1xf32>
    %div3A = vector.broadcast %reduce_sum3A_13 : f32 to vector<2x1x1xf32>
    %div3A_14 = arith.divf %exp3A, %div3A : vector<2x1x1xf32>
    %slice3A = vector.extract_strided_slice %div3A_14 {offsets = [0, 0, 0], sizes = [1, 1, 1], strides = [1, 1, 1]} : vector<2x1x1xf32> to vector<1x1x1xf32>
    %squeeze3A = vector.extract %slice3A[0, 0, 0] : f32 from vector<1x1x1xf32>
    %get3A_15 = arith.constant 0 : index
    %get3A_16 = arith.constant 0 : index
    %get3A_17 = arith.constant 0 : index
    %get3A_18 = vector.load %arg1[%get3A_15, %get3A_16, %get3A_17] : memref<1x2000x128xf32, #tpu.memory_space<vmem>>, vector<1x2000x128xf32>
    %get3A_19 = vector.shape_cast %get3A_18 : vector<1x2000x128xf32> to vector<2000x128xf32>
    %mul3A_20 = vector.broadcast %squeeze3A : f32 to vector<2000x128xf32>
    %mul3A_21 = arith.mulf %mul3A_20, %get3A_19 : vector<2000x128xf32>
    %slice3A_22 = vector.extract_strided_slice %div3A_14 {offsets = [1, 0, 0], sizes = [1, 1, 1], strides = [1, 1, 1]} : vector<2x1x1xf32> to vector<1x1x1xf32>
    %squeeze3A_23 = vector.extract %slice3A_22[0, 0, 0] : f32 from vector<1x1x1xf32>
    %get3A_24 = arith.constant 0 : index
    %get3A_25 = arith.constant 0 : index
    %get3A_26 = arith.constant 0 : index
    %get3A_27 = vector.load %arg2[%get3A_24, %get3A_25, %get3A_26] : memref<1x2000x128xf32, #tpu.memory_space<vmem>>, vector<1x2000x128xf32>
    %get3A_28 = vector.shape_cast %get3A_27 : vector<1x2000x128xf32> to vector<2000x128xf32>
    %mul3A_29 = vector.broadcast %squeeze3A_23 : f32 to vector<2000x128xf32>
    %mul3A_30 = arith.mulf %mul3A_29, %get3A_28 : vector<2000x128xf32>
    %add3A = arith.addf %mul3A_21, %mul3A_30 : vector<2000x128xf32>
    %swap3A = arith.constant 0 : index
    %swap3A_31 = arith.constant 0 : index
    %swap3A_32 = vector.load %arg4[%swap3A, %swap3A_31] : memref<2000x128xf32, #tpu.memory_space<vmem>>, vector<2000x128xf32>
    tpu.vector_store %arg4[%swap3A, %swap3A_31], %add3A {strides = array<i32>} : memref<2000x128xf32, #tpu.memory_space<vmem>>, vector<2000x128xf32>,
    return
  }
  func.func @transform_0(%arg0: i32) -> (i32, i32, i32) {
    %c0_i32 = arith.constant 0 : i32
    %c0_i32_0 = arith.constant 0 : i32
    %c0_i32_1 = arith.constant 0 : i32
    return %c0_i32, %arg0, %c0_i32_0 : i32, i32, i32
  }
  func.func @transform_1(%arg0: i32) -> (i32, i32, i32) {
    %c1_i32 = arith.constant 1 : i32
    %c0_i32 = arith.constant 0 : i32
    %c0_i32_0 = arith.constant 0 : i32
    return %c1_i32, %arg0, %c0_i32 : i32, i32, i32
  }
  func.func @transform_2(%arg0: i32) -> (i32, i32, i32) {
    %c0_i32 = arith.constant 0 : i32
    %c0_i32_0 = arith.constant 0 : i32
    %c0_i32_1 = arith.constant 0 : i32
    %c0_i32_2 = arith.constant 0 : i32
    return %c0_i32, %c0_i32_0, %c0_i32_1 : i32, i32, i32
  }
  func.func @transform_3(%arg0: i32) -> (i32, i32) {
    %c0_i32 = arith.constant 0 : i32
    %c0_i32_0 = arith.constant 0 : i32
    return %arg0, %c0_i32 : i32, i32
  }
}

</mosaic_0001>

<sc_bundles>
// kernel: kernel.6.cloned.1.call-start
scs
__scs_entry_jumppad:
0x0: {  	(pc) =	sbr.rel $0x88, $3  }
0x1: {  	(tag) =	ssettag $0x0;
	lr =	simm.s32 $0x1  }
0x2: {  	[smem:$0x3F95] =	sst lr;
	_ =	strace $0xD0000000  }
0x3: {  	_ = 	snop  }
0x4: {  	_ = 	snop  }
0x5: {  	_ = 	snop  }
0x6: {  	_ = 	snop  }
0x7: {  	_ = 	snop  }
__scs_overlays_trampoline_lowered:
0x8: {  	[smem:$0x3FA4] =	sst s0  }
0x9: {  	[smem:$0x3FA5] =	sst s1  }
0xa: {  	[smem:$0x3FA6] =	sst s2  }
0xb: {  	[smem:$0x3FA7] =	sst s3  }
0xc: {  	[smem:$0x3FA8] =	sst s4  }
0xd: {  	[smem:$0x3FA9] =	sst s5  }
0xe: {  	[smem:$0x3FAA] =	sst s6  }
0xf: {  	[smem:$0x3FAB] =	sst s7  }
0x10: {  	[smem:$0x3FAC] =	sst s8  }
0x11: {  	[smem:$0x3FAD] =	sst s9;
	s0 =	simm.s32 @!p0 $0x0  }
0x12: {  	s1 =	sld [smem:$0x3F93];
	s0 =	simm.s32 @p0 $0x1  }
0x13: {  	[smem:$0x3FAE] =	sst s0;
	s0 =	simm.s32 @!p1 $0x0  }
0x14: {  	s2 =	sld [smem:$0x3F92];
	s0 =	simm.s32 @p1 $0x1  }
0x15: {  	[smem:$0x3FAF] =	sst s0;
	s0 =	simm.s32 @!p2 $0x0  }
0x16: {  	s3 =	sld [smem:$0x3FDB];
	s0 =	simm.s32 @p2 $0x1  }
0x17: {  	s4 =	simm.s32 $0x1BF5;
	[smem:$0x3FB1] =	sst s0  }
0x18: {  	s0 =	sld [smem:$0x3F94];
	_ =	swait.ge [sflag:s4], $0x0  }
0x19: {  	s7 =	sld [smem:$0x3F95]  }
0x1a: {  	s8 =	sadd.s32 $0xFFFFE003, lr  }
0x1b: {  	s9 =	sadd.s32 $0xFFFFFEF7, lr;
	s5 =	simm.s32 $0xFFFFFFFF;
	p2 =	slt.u32 s8, $0xFFFFF086  }
0x1c: {  	p1 =	slt.u32 s9, $0xF7A;
	s5 =	simm.s32 @!p2 $0x0  }
0x1d: {  	s5 =	simm.s32 @p1 $0x1;
	p0 =	seq.s32 s7, s2  }
0x1e: {  	s7 =	smul.u32 @!p0 $0xF7A, s2;
	p2 =	seq.s32 @!p0 s5, $0x0  }
0x1f: {  	s9 =	smul.u32 $0xF7A, s1;
	s8 =	simm.s32 @!p0 $0x1BF5;
	p2 =	por !p2, p0  }
0x20: {  	[sflag:s8] =	ssyncset.s32 @!p0 $0xFFFFF086;
	s6 =	sadd.s32 @!p0 s3, s7;
	s7 =	simm.s32 @!p0 $0x108  }
0x21: {  	s3 =	sadd.s32 s3, s9;
	s6 =	sadd.s32 @!p0 $0x88, s6;
	s7 =	simm.s32 @p2 $0x1082  }
0x22: {  	[simem:s7], [sflag:s8] =	dma.local @!p0 [hbm:s6], $0xF7A  }
0x23: {  	s9 =	sor.u32 $0xD0000000, s2;
	s6 =	simm.s32 $0x108;
	_ =	swait.ge @!p0 [sflag:s8], $0x0  }
0x24: {  	s3 =	sadd.s32 $0x88, s3;
	s6 =	simm.s32 @!p1 $0x1082;
	[sflag:s4] =	ssyncset.s32 $0xFFFFF086  }
0x25: {  	[simem:s6], [sflag:s4] =	dma.local [hbm:s3], $0xF7A  }
0x26: {  	[smem:$0x3F95] =	sst s1;
	(tag) =	ssettag s2;
	_ =	strace s9  }
0x27: {  	s1 =	sld [smem:$0x3FA5]  }
0x28: {  	s2 =	sld [smem:$0x3FA6]  }
0x29: {  	s4 =	sld [smem:$0x3FA8]  }
0x2a: {  	p0 =	seq.s32 s5, $0x0;
	s5 =	sld [smem:$0x3FA9]  }
0x2b: {  	s6 =	sld [smem:$0x3FAA]  }
0x2c: {  	s7 =	sld [smem:$0x3FAB]  }
0x2d: {  	s3 =	simm.s32 $0x108;
	s8 =	sld [smem:$0x3FAC]  }
0x2e: {  	s3 =	simm.s32 @!p0 $0x1082;
	s9 =	sld [smem:$0x3FAD]  }
0x2f: {  	lr =	sadd.s32 s0, s3;
	s0 =	sld [smem:$0x3FA4]  }
0x30: {  	s3 =	sld [smem:$0x3FA7]  }
0x31: {  	[smem:$0x3FB0] =	sst s10  }
0x32: {  	s10 =	sld [smem:$0x3FAE];
	_ =	sdelay $0x3  }
0x33: {  	p0 =	seq.s32 s10, $0x1;
	s10 =	sld [smem:$0x3FB0];
	_ =	sdelay $0x3  }
0x34: {  	[smem:$0x3FB0] =	sst s10  }
0x35: {  	s10 =	sld [smem:$0x3FAF];
	_ =	sdelay $0x3  }
0x36: {  	p1 =	seq.s32 s10, $0x1;
	s10 =	sld [smem:$0x3FB0];
	_ =	sdelay $0x3  }
0x37: {  	[smem:$0x3FB0] =	sst s10  }
0x38: {  	s10 =	sld [smem:$0x3FB1]  }
0x39: {  	_ = 	snop;
	(pc) =	sbr.ind lr, $3  }
0x3a: {  	_ = 	snop  }
0x3b: {  	_ = 	snop  }
0x3c: {  	p2 =	seq.s32 s10, $0x1;
	s10 =	sld [smem:$0x3FB0]  }
0x3d: {  	_ =	shalt  }
0x3e: {  	_ =	shalt  }
0x3f: {  	_ =	shalt  }
0x40: {  	_ =	shalt  }
0x41: {  	_ =	shalt  }
0x42: {  	_ =	shalt  }
0x43: {  	_ =	shalt  }
0x44: {  	_ =	shalt  }
0x45: {  	_ =	shalt  }
0x46: {  	_ =	shalt  }
0x47: {  	_ =	shalt  }
0x48: {  	_ =	shalt  }
0x49: {  	_ =	shalt  }
0x4a: {  	_ =	shalt  }
0x4b: {  	_ =	shalt  }
0x4c: {  	_ =	shalt  }
0x4d: {  	_ =	shalt  }
0x4e: {  	_ =	shalt  }
0x4f: {  	_ =	shalt  }
0x50: {  	_ =	shalt  }
0x51: {  	_ =	shalt  }
0x52: {  	_ =	shalt  }
0x53: {  	_ =	shalt  }
0x54: {  	_ =	shalt  }
0x55: {  	_ =	shalt  }
0x56: {  	_ =	shalt  }
0x57: {  	_ =	shalt  }
0x58: {  	_ =	shalt  }
0x59: {  	_ =	shalt  }
0x5a: {  	_ =	shalt  }
0x5b: {  	_ =	shalt  }
0x5c: {  	_ =	shalt  }
0x5d: {  	_ =	shalt  }
0x5e: {  	_ =	shalt  }
0x5f: {  	_ =	shalt  }
0x60: {  	_ =	shalt  }
0x61: {  	_ =	shalt  }
0x62: {  	_ =	shalt  }
0x63: {  	_ =	shalt  }
0x64: {  	_ =	shalt  }
0x65: {  	_ =	shalt  }
0x66: {  	_ =	shalt  }
0x67: {  	_ =	shalt  }
0x68: {  	_ =	shalt  }
0x69: {  	_ =	shalt  }
0x6a: {  	_ =	shalt  }
0x6b: {  	_ =	shalt  }
0x6c: {  	_ =	shalt  }
0x6d: {  	_ =	shalt  }
0x6e: {  	_ =	shalt  }
0x6f: {  	_ =	shalt  }
0x70: {  	_ =	shalt  }
0x71: {  	_ =	shalt  }
0x72: {  	_ =	shalt  }
0x73: {  	_ =	shalt  }
0x74: {  	_ =	shalt  }
0x75: {  	_ =	shalt  }
0x76: {  	_ =	shalt  }
0x77: {  	_ =	shalt  }
0x78: {  	_ =	shalt  }
0x79: {  	_ =	shalt  }
0x7a: {  	_ =	shalt  }
0x7b: {  	_ =	shalt  }
0x7c: {  	_ =	shalt  }
0x7d: {  	_ =	shalt  }
0x7e: {  	_ =	shalt  }
0x7f: {  	_ =	shalt  }
0x80: {  	_ =	shalt  }
0x81: {  	_ =	shalt  }
0x82: {  	_ =	shalt  }
0x83: {  	_ =	shalt  }
0x84: {  	_ =	shalt  }
0x85: {  	_ =	shalt  }
0x86: {  	_ =	shalt  }
0x87: {  	_ =	shalt  }
.Lfunc_end0:
.L_simem_size_0:
called_computation_lowered:
.L_overlay_start_0:
0x88: {  	s2 =	sld [smem:$0x3FD9]  }
0x89: {  	s3 =	sld [smem:$0x3FFE];
	_ =	sdelay $0x1  }
0x8a: {  	s1 =	srdreg.scid  }
0x8b: {  	s0 =	sand.u32 $0x1, s1  }
0x8c: {  	s17 =	sshll.u32 s0, $0xA;
	s2 =	sadd.s32 s3, s2  }
0x8d: {  	s2 =	sadd.s32 s2, s17  }
0x8e: {  	[smem:$0x3FBC] =	sst s2  }
0x8f: {  	_ = 	snop  }
0x90: {  	s2 =	sld [smem:$0x3FD0];
	(tm) =	ssettm $0x1  }
0x91: {  	s18 =	sld [smem:$0x3FFB];
	_ =	sdelay $0x3  }
0x92: {  	_ =	strace s18  }
0x93: {  	s3 =	sld [smem:$0x3FFC];
	_ =	sdelay $0x3  }
0x94: {  	_ =	strace s3  }
0x95: {  	s3 =	sld [smem:$0x3FFD];
	_ =	sdelay $0x3  }
0x96: {  	_ =	strace s3  }
0x97: {  	_ =	strace $0x8FFFFFFF  }
0x98: {  	s19 =	sld [smem:$0x3FDB];
	_ =	sdelay $0x1  }
0x99: {  	s4 =	simm.s32 $_scs_section_size  }
0x9a: {  	s5 =	simm.s32 $_size__tile_overlayer_lowered;
	s6 =	simm.s32 $_tile_overlayer_lowered  }
0x9b: {  	s22 =	simm.s32 $0x1BFF;
	s21 =	sshll.u32 s6, $0x1;
	s3 =	sadd.s32 s4, s19  }
0x9c: {  	s7 =	simm.s32 $0x0;
	s20 =	sshll.u32 s5, $0x1;
	s5 =	sadd.s32 s21, s3  }
0x9d: {  	[timem:s7], [sflag:s22] =	dma.local [hbm:s5], s20  }
0x9e: {  	_ =	swait.ge [sflag:s22], s20  }
0x9f: {  	s4 =	ssub.s32 $0x0, s20;
	[sflag:s22] =	ssyncset.done $0x0  }
0xa0: {  	[sflag:s22] =	ssyncadd.s32 s4;
	_ =	sdelay $0x1  }
0xa1: {  	s23 =	simm.s32 $0x1B8B  }
0xa2: {  	_ =	swait.ge [sflag:s23], $0x1  }
0xa3: {  	[sflag:s23] =	ssyncset.done $0x0  }
0xa4: {  	s25 =	simm.s32 $0x1B8E;
	s24 =	sld [smem:$0x3FFE];
	[sflag:s23] =	ssyncadd.s32 $0xFFFFFFFF  }
0xa5: {  	s26 =	simm.s32 $execute0_lowered;
	[smem:$0x3FD2] =	sst s25  }
0xa6: {  	s5 =	sshll.u32 s26, $0x1;
	_ =	strace $0x80000046;
	[dreg:$0x1] =	wrdreg $0xFFFFFFFF  }
0xa7: {  	s28 =	simm.s32 $_size_execute0_lowered;
	s3 =	sadd.s32 s3, s5;
	[dreg:$0x0] =	wrdreg $0x0  }
0xa8: {  	s5 =	sshll.u32 s28, $0x1;
	[dreg:$0x2] =	wrdreg s3  }
0xa9: {  	[dreg:$0x3] =	wrdreg s5  }
0xaa: {  	[dreg:$0x4] =	wrdreg $0xC0  }
0xab: {  	_ =	task [dreg:s7], $0x5FFFF  }
0xac: {  	[dreg:$0x1] =	wrdreg $0xFFFFFFFF  }
0xad: {  	[dreg:$0x0] =	wrdreg $0x60  }
0xae: {  	[dreg:$0x2] =	wrdreg s24  }
0xaf: {  	[dreg:$0x3] =	wrdreg s2  }
0xb0: {  	[dreg:$0x4] =	wrdreg $0x8EB00  }
0xb1: {  	[dreg:$0x5] =	wrdreg $0x9  }
0xb2: {  	_ =	task.clear_ibuf [dreg:s7], $0x6FFFF;
	_ =	strace $0x90000046  }
0xb3: {  	s29 =	simm.s32 $0x9;
	_ =	strace $0x80000048  }
0xb4: {  	_ =	swait.ge [sflag:s29], $0x1  }
0xb5: {  	[sflag:s29] =	ssyncadd.s32 $0xFFFFFFFF  }
0xb6: {  	_ =	strace $0x90000048  }
0xb7: {  	_ =	sfence  }
0xb8: {  	s30 =	sld [smem:$0x0];
	_ =	sdelay $0x2  }
0xb9: {  	s31 =	sshll.u32 s1, $0xD;
	s1 =	sshrl.u32 s1, $0x2  }
0xba: {  	s3 =	sand.u32 $0x4000, s31;
	s1 =	sadd.s32 s1, s30  }
0xbb: {  	s0 =	sor.u32 s3, s0;
	s1 =	sshll.u32 s1, $0x11  }
0xbc: {  	s0 =	sor.u32 s1, s0  }
0xbd: {  	s0 =	sadd.s32 $0x8F2B, s0  }
0xbe: {  	[sflag:s0] =	ssyncadd.remote.s32 $0x1  }
0xbf: {  	_ =	sfence.sel $0xFFFF  }
0xc0: {  	[dreg:$0x0] =	wrdreg $0xFFFFFFFF;
	(pc) =	sbr.abs _section_cstart, $3  }
0xc1: {  	[dreg:$0x1] =	wrdreg $0xFFFFFFFF  }
0xc2: {  	_ =	task.clear_ibuf [dreg:s7], $0x2FFFF;
	_ =	strace $0x9FFFFFFF  }
0xc3: {  	(tm) =	ssettm $0x7FFFFFFF  }
tec
execute0_lowered:
.L_overlay_start_1:
0x0: {  	(tag) =	ssettag $0x1  }
0x1: {  	s0 =	rddreg [dreg:$0x0]  }
0x2: {  	s1 =	rddreg [dreg:$0x1]  }
0x3: {  	s2 =	rddreg [dreg:$0x2];
	s4 =	simm.s32 $0x0  }
0x4: {  	s3 =	srdreg.scid;
	s17 =	stileid.u32;
	s28 =	simm.s32 $0x2A0  }
0x5: {  	s30 =	simm.s32 $0x2;
	s31 =	simm.s32 $0x41A0;
	s29 =	simm.s32 $0x4  }
0x6: {  	[smem:$0x7FF] =	sst s4;
	s5 =	sadd.s32 $0xA6400, s0;
	s9 =	smul.u32 $0x16380, s17  }
0x7: {  	s3 =	sand.u32 $0x1, s3;
	s6 =	sadd.s32 $0x9C600, s0;
	s12 =	smul.u32 $0x2C70, s17  }
0x8: {  	s7 =	sadd.s32 $0x400, s0;
	s15 =	smul.u32 $0x70, s17;
	s20 =	sshll.u32 s17, $0x6  }
0x9: {  	s16 =	sor.u32 $0x20, s17;
	s17 =	sor.u32 $0x30, s17;
	_ =	strace $0x80000047  }
0xa: {  	s8 =	sshll.u32 s3, $0x1;
	s10 =	smul.u32 $0x2C700, s3;
	s14 =	ssub.s32 $0x2, s3  }
0xb: {  	s11 =	sadd.s32 s8, s0;
	s13 =	sshrl.u32 s9, $0x3;
	s8 =	smul.u32 $0x4EC00, s3  }
0xc: {  	s18 =	sshrl.u32 s14, $0x1;
	s3 =	smul.u32 $0x2710, s3;
	s9 =	sadd.s32 s9, s2  }
0xd: {  	s10 =	sadd.s32 s12, s10;
	s13 =	sadd.s32 s13, s0;
	s12 =	ssub.s32 s14, s18  }
0xe: {  	s11 =	sadd.s32 $0x200, s11;
	s0 =	sadd.s32 s10, s0;
	s19 =	sadd.s32 s15, s8  }
0xf: {  	s13 =	sadd.s32 $0x14000, s13;
	s10 =	sor.u32 $0x1C07, s20;
	[dreg:$0x5] =	wrdreg s11  }
0x10: {  	s26 =	smax.u32 s12, $0x1;
	s20 =	sshrl.u32 s9, $0x3;
	v3 =	vmov s3;
	s3 =	simm.s32 $0x3  }
0x11: {  	s9 =	simm.s32 $0x230;
	s12 =	simm.s32 $0x0;
	[dreg:$0x4] =	wrdreg s13  }
0x12: {  	s21 =	sshrl.u32 s19, $0x3;
	s0 =	sadd.s32 $0x40800, s0;
	[dreg:$0xb] =	wrdreg s26  }
0x13: {  	s26 =	simm.s32 $0x1;
	s22 =	sadd.s32 $0xE0, s21;
	s23 =	sadd.s32 s1, s21  }
.Ltmp0:
0x14: {  	s24 =	sadd.s32 s7, s21;
	[dreg:$0xa] =	wrdreg s0;
	(pc) =	sbr.rel .LBB2_1-.Ltmp0, $4  }
0x15: {  	s21 =	simm.s32 $0x7;
	s0 =	simm.s32 $0x87A0;
	[dreg:$0x6] =	wrdreg s23  }
0x16: {  	v6 =	vimm.s32 $0x0;
	[dreg:$0x7] =	wrdreg s24;
	s25 =	sadd.s32 s1, s22;
	s11 =	sadd.s32 s7, s22  }
0x17: {  	v44 =	vimm.s32 $0x1;
	v8 =	vimm.s32 $0x2;
	v9 =	vimm.s32 $0x3;
	s24 =	simm.s32 $0x70;
	s22 =	simm.s32 $0x1C0;
	[dreg:$0x8] =	wrdreg s25  }
0x18: {  	v52 =	vimm.s32 $0x5;
	v39 =	vimm.s32 $0x6;
	v13 =	vimm.s32 $0x7;
	[tilespmem:$0x1FFF0] =	vst v3;
	[dreg:$0x9] =	wrdreg s11;
	s25 =	simm.s32 $0x150;
	s11 =	simm.s32 $0x6  }
.LBB2_12:
0x19: {  	s13 =	simm.s32 $0x5  }
0x1a: {  	_ =	swait.ge [sflag:s13], $0x3F00  }
0x1b: {  	[sflag:s13] =	ssyncset.done $0x0  }
0x1c: {  	[sflag:s13] =	ssyncadd.s32 $0xFFFFC100  }
0x1d: {  	_ =	swait.ge [sflag:s11], $0x3F00  }
0x1e: {  	[sflag:s11] =	ssyncset.done $0x0  }
0x1f: {  	[sflag:s11] =	ssyncadd.s32 $0xFFFFC100  }
0x20: {  	[bflag:$0x0] =	sbarrier.arrive $0xFFFF  }
0x21: {  	s19 =	rddreg [dreg:$0xa]  }
0x22: {  	[hbm:s19], [sflag:s10] =	dma.local [spmem:s20], $0x2C70  }
0x23: {  	_ =	swait.ge [sflag:s21], $0x2C70  }
0x24: {  	s12 =	sadd.s32 $0x1, s12;
	s23 =	rddreg [dreg:$0xb]  }
0x25: {  	p0 =	sne.s32 s12, s23  }
.Ltmp1:
0x26: {  	_ = 	snop;
	(pc) =	sbr.rel @!p0 .LBB2_13-.Ltmp1, $3  }
0x27: {  	_ =	sdelay $0x1  }
0x28: {  	v6 =	vimm.s32 $0x0;
	v44 =	vimm.s32 $0x1;
	[sflag:s21] =	ssyncset.done $0x0  }
0x29: {  	v8 =	vimm.s32 $0x2;
	v9 =	vimm.s32 $0x3;
	v13 =	vimm.s32 $0x7;
	v3 =	vld [tilespmem:$0x1FFF0];
	[sflag:s21] =	ssyncadd.s32 $0xFFFFD390  }
.LBB2_1:
0x2a: {  	s13 =	rddreg [dreg:$0x4]  }
0x2b: {  	[spmem:s20], [sflag:s10] =	dma.local [hbm:s13], $0x2C70  }
0x2c: {  	_ =	swait.ge [sflag:s21], $0x2C70  }
0x2d: {  	[sflag:s21] =	ssyncset.done $0x0  }
0x2e: {  	s14 =	simm.s32 $0x8EA0;
	s19 =	rddreg [dreg:$0x5];
	[sflag:s21] =	ssyncadd.s32 $0xFFFFD390  }
0x2f: {  	[tilespmem:s14], [sflag:$0x7] =	stream.linear.gather [hbm4b:s19+s4], $0x10, $0x38;
	[tilespmem:$0x1F230] =	vst v63  }
0x30: {  	_ =	swait.ge [sflag:s21], $0x10  }
0x31: {  	[sflag:s21] =	ssyncset.done $0x0  }
0x32: {  	[sflag:s21] =	ssyncadd.s32 $0xFFFFFFF0  }
0x33: {  	[bflag:$0x0] =	sbarrier.arrive $0xFFFF  }
0x34: {  	s23 =	rddreg [dreg:$0x6]  }
0x35: {  	v12 =	vld [tilespmem:$0x8EA0];
	[tilespmem:s4], [sflag:$0x1] =	stream.linear.gather [hbm4b:s23+s4], $0x70, $0x38  }
0x36: {  	s15 =	simm.s32 $0xE0;
	s14 =	rddreg [dreg:$0x7]  }
0x37: {  	[tilespmem:s15], [sflag:$0x1] =	stream.linear.gather [hbm4b:s14+s4], $0x70, $0x38;
	[tilespmem:$0x1F230] =	vst v63  }
0x38: {  	s18 =	rddreg [dreg:$0x8]  }
0x39: {  	[tilespmem:s24], [sflag:$0x2] =	stream.linear.gather [hbm4b:s18+s4], $0x70, $0x38;
	[tilespmem:$0x1F230] =	vst v63  }
0x3a: {  	s19 =	rddreg [dreg:$0x9]  }
0x3b: {  	[tilespmem:s25], [sflag:$0x2] =	stream.linear.gather [hbm4b:s19+s4], $0x70, $0x38;
	[tilespmem:$0x1F230] =	vst v63  }
0x3c: {  	_ =	swait.ge [sflag:s26], $0x70  }
0x3d: {  	[sflag:s26] =	ssyncset.done $0x0  }
0x3e: {  	[sflag:s26] =	ssyncadd.s32 $0xFFFFFF90  }
0x3f: {  	_ =	swait.ge [sflag:s26], $0x70  }
0x40: {  	[sflag:s26] =	ssyncset.done $0x0  }
0x41: {  	[sflag:s26] =	ssyncadd.s32 $0xFFFFFF90  }
0x42: {  	[tilespmem:s28], [sflag:$0x3] =	stream.indirect.gather [hbm4b:s5+s24], $0x90, s4, s24, $0xb8;
	[tilespmem:$0x1F230] =	vst v63  }
0x43: {  	s13 =	simm.s32 $0x0;
	s23 =	simm.s32 $0x80A0;
	[tilespmem:$0x1FFE0] =	vst v12  }
0x44: {  	[tilespmem:s23], [sflag:$0x3] =	stream.indirect.gather [hbm4b:s6+s24], $0x10, s15, s24, $0xb8;
	[tilespmem:$0x1F230] =	vst v63  }
.LBB2_2:
0x45: {  	p0 =	seq.s32 s13, $0x0  }
0x46: {  	s14 =	simm.s32 @!p0 $0x6  }
0x47: {  	_ =	swait.ge @!p0 [sflag:s14], $0x3F00  }
0x48: {  	[sflag:s14] =	ssyncset.done @!p0 $0x0  }
0x49: {  	[sflag:s14] =	ssyncadd.s32 @!p0 $0xFFFFC100  }
0x4a: {  	_ =	swait.ge [sflag:s30], $0x70  }
0x4b: {  	[sflag:s30] =	ssyncset.done $0x0  }
0x4c: {  	[sflag:s30] =	ssyncadd.s32 $0xFFFFFF90  }
0x4d: {  	_ =	swait.ge [sflag:s30], $0x70  }
0x4e: {  	[sflag:s30] =	ssyncset.done $0x0  }
0x4f: {  	[sflag:s30] =	ssyncadd.s32 $0xFFFFFF90  }
0x50: {  	[tilespmem:s31], [sflag:$0x4] =	stream.indirect.gather [hbm4b:s5+s24], $0x90, s24, s24, $0xb8;
	[tilespmem:$0x1F230] =	vst v63  }
0x51: {  	_ = 	snop  }
0x52: {  	[tilespmem:s0], [sflag:$0x4] =	stream.indirect.gather [hbm4b:s6+s24], $0x10, s25, s24, $0xb8;
	[tilespmem:$0x1F230] =	vst v63  }
0x53: {  	_ =	swait.ge [sflag:s3], $0x3F00  }
0x54: {  	[sflag:s3] =	ssyncset.done $0x0  }
0x55: {  	[sflag:s3] =	ssyncadd.s32 $0xFFFFC100  }
0x56: {  	_ =	swait.ge [sflag:s3], $0x700  }
0x57: {  	[sflag:s3] =	ssyncset.done $0x0  }
0x58: {  	s23 =	simm.s32 $0xF0;
	[sflag:s3] =	ssyncadd.s32 $0xFFFFF900  }
0x59: {  	v0 =	vld [tilespmem:s23+$0xFFFFFFF0]  }
0x5a: {  	v1 =	vld [tilespmem:s23+$0x0];
	_ =	sdelay $0x3  }
0x5b: {  	s15 =	simm.s32 $0x1D0;
	s18 =	simm.s32 $0x110;
	v2 =	vsub.s32 v0, v3  }
0x5c: {  	s19 =	simm.s32 $0x20;
	s14 =	sshll.u32 s13, $0x5;
	v0 =	vld [tilespmem:s18+$0xFFFFFFF0];
	v1 =	vsub.s32 v1, v3;
	[tilespmem:s15+$0xFFFFFFF0] =	vst v2  }
.LBB2_3:
0x5d: {  	s19 =	sadd.s32 $0x20, s19  }
0x5e: {  	v2 =	vld [tilespmem:s18+$0x0];
	[tilespmem:s15+$0x0] =	vst v1;
	s15 =	sadd.s32 $0x20, s15;
	p0 =	slt.u32 s19, $0x40  }
.Ltmp2:
0x5f: {  	(pc) =	sbr.rel @p0 .LBB2_3-.Ltmp2, $3  }
0x60: {  	_ =	sdelay $0x1  }
0x61: {  	s18 =	sadd.s32 $0x20, s18;
	v1 =	vsub.s32 v0, v3  }
0x62: {  	v0 =	vld [tilespmem:s18+$0xFFFFFFF0];
	[tilespmem:s15+$0xFFFFFFF0] =	vst v1;
	v1 =	vsub.s32 v2, v3  }
0x63: {  	v2 =	vld [tilespmem:s18+$0x0];
	_ =	sdelay $0x3  }
0x64: {  	[tilespmem:s15+$0x0] =	vst v1;
	s23 =	sadd.s32 $0x20, s15;
	v0 =	vsub.s32 v0, v3  }
0x65: {  	[tilespmem:s23+$0xFFFFFFF0] =	vst v0;
	v0 =	vsub.s32 v2, v3  }
0x66: {  	[tilespmem:s23+$0x0] =	vst v0  }
0x67: {  	v0 =	vld [tilespmem:$0x140];
	_ =	sdelay $0x4  }
0x68: {  	v0 =	vsub.s32 v0, v3  }
0x69: {  	s15 =	simm.s32 $0x3C0;
	[tilespmem:$0x220] =	vst v0  }
0x6a: {  	s18 =	simm.s32 $0x80C0;
	v0 =	vld [tilespmem:s15+$0x110]  }
0x6b: {  	v1 =	vld [tilespmem:s18+$0x10];
	_ =	sdelay $0x1  }
0x6c: {  	v2 =	vld [tilespmem:s18+$0xFFFFFFE0]  }
0x6d: {  	v3 =	vld [tilespmem:s15+$0xFFFFFFF0]  }
0x6e: {  	v4 =	vld [tilespmem:s18+$0xFFFFFFF0]  }
0x6f: {  	v5 =	vld [tilespmem:s15+$0x80];
	v0 =	vadd.f32 v1, v0  }
0x70: {  	v10 =	vld [tilespmem:s18+$0x0]  }
0x71: {  	v14 =	vld [tilespmem:s15+$0xFFFFFEE0];
	v11 =	vmul.f32 $2.000000030e-01, v0  }
0x72: {  	v1 =	vld [tilespmem:s15+$0xFFFFFF60]  }
0x73: {  	v15 =	vld [tilespmem:s15+$0xFFFFFEF0];
	v0 =	vmax.f32 v0, v11  }
0x74: {  	v16 =	vld [tilespmem:s15+$0xFFFFFF00];
	v3 =	vadd.f32 v4, v3;
	v0 =	vsub.f32 v0, v12  }
0x75: {  	v17 =	vld [tilespmem:s15+$0xFFFFFF10]  }
0x76: {  	v18 =	vld [tilespmem:s15+$0xFFFFFF20];
	v4 =	vmul.f32 $2.000000030e-01, v3;
	v0 =	vmul.f32 $1.442695020e+00, v0  }
0x77: {  	v19 =	vld [tilespmem:s15+$0xFFFFFF30];
	v5 =	vadd.f32 v10, v5;
	v1 =	vadd.f32 v2, v1  }
0x78: {  	v20 =	vld [tilespmem:s15+$0xFFFFFF40];
	v2 =	vmax.f32 v3, v4;
	(erf) = vpow2.f32 v0  }
0x79: {  	v21 =	vld [tilespmem:s15+$0xFFFFFF50];
	v3 =	vmul.f32 $2.000000030e-01, v5;
	v2 =	vsub.f32 v2, v12;
	v4 =	vmul.f32 $2.000000030e-01, v1  }
0x7a: {  	v22 =	vld [tilespmem:s15+$0xFFFFFF70]  }
0x7b: {  	v23 =	vld [tilespmem:s15+$0xFFFFFF80];
	v3 =	vmax.f32 v5, v3;
	v0 =	vmax.f32 v1, v4;
	v1 =	vmul.f32 $1.442695020e+00, v2  }
0x7c: {  	v24 =	vld [tilespmem:s15+$0xFFFFFF90];
	v2 =	vsub.f32 v3, v12  }
0x7d: {  	v25 =	vld [tilespmem:s15+$0xFFFFFFA0];
	v0 =	vsub.f32 v0, v12;
	(erf) = vpow2.f32 v1  }
0x7e: {  	v26 =	vld [tilespmem:s15+$0xFFFFFFB0];
	v2 =	vmul.f32 $1.442695020e+00, v2  }
0x7f: {  	v27 =	vld [tilespmem:s15+$0xFFFFFFC0];
	v0 =	vmul.f32 $1.442695020e+00, v0  }
0x80: {  	v28 =	vld [tilespmem:s15+$0xFFFFFFD0];
	(erf) = vpow2.f32 v2  }
0x81: {  	(erf) = vpow2.f32 v0;
	v0 =	vld [tilespmem:s15+$0x100];
	v42 =	vpop (erf)  }
0x82: {  	v31 =	vld [tilespmem:s15+$0xFFFFFFE0];
	v2 =	vperm.xlane v42, v8  }
0x83: {  	v29 =	vld [tilespmem:s15+$0x0]  }
0x84: {  	v34 =	vld [tilespmem:s15+$0x10];
	v1 =	vperm.xlane v42, v13;
	[tilespmem:$0x1FFC0] =	vst v2;
	v2 =	vperm.xlane v42, v9  }
0x85: {  	v11 =	vmov v12;
	v12 =	vperm.xlane v42, v6  }
0x86: {  	v13 =	vperm.xlane v42, v44;
	v43 =	vpop (erf);
	v0 =	vmul.f32 v0, v1;
	v30 =	vld [tilespmem:s15+$0x20];
	[tilespmem:$0x1FFD0] =	vst v2  }
0x87: {  	v51 =	vperm.xlane v43, v6;
	v48 =	vperm.xlane v43, v44;
	v40 =	vld [tilespmem:s15+$0x30]  }
0x88: {  	v10 =	vimm.s32 $0x4;
	v49 =	vperm.xlane v43, v8;
	v46 =	vperm.xlane v43, v9;
	v35 =	vld [tilespmem:s15+$0x40]  }
0x89: {  	v7 =	vimm.s32 $0x7;
	v50 =	vperm.xlane v43, v10;
	v47 =	vperm.xlane v43, v52;
	v37 =	vld [tilespmem:s15+$0x50]  }
0x8a: {  	v61 =	vperm.xlane v43, v39;
	v59 =	vperm.xlane v43, v7;
	v45 =	vpop (erf);
	v36 =	vld [tilespmem:s15+$0x60]  }
0x8b: {  	v41 =	vpop (erf);
	v60 =	vperm.xlane v45, v6;
	v58 =	vperm.xlane v45, v44;
	v32 =	vld [tilespmem:s15+$0x90]  }
0x8c: {  	v4 =	vperm.xlane v41, v6;
	v1 =	vperm.xlane v41, v44;
	v33 =	vld [tilespmem:s15+$0xA0]  }
0x8d: {  	[tilespmem:s15+$0x100] =	vst v0;
	v5 =	vperm.xlane v41, v8;
	v0 =	vperm.xlane v41, v9;
	v38 =	vld [tilespmem:s15+$0xB0]  }
0x8e: {  	v3 =	vperm.xlane v41, v10;
	v2 =	vperm.xlane v41, v39;
	v39 =	vld [tilespmem:s15+$0xC0]  }
0x8f: {  	v63 =	vperm.xlane v41, v52;
	v62 =	vperm.xlane v41, v7;
	[tilespmem:s15+$0xFFFFFF60] =	vst v41;
	v41 =	vld [tilespmem:s15+$0xD0]  }
0x90: {  	v57 =	vperm.xlane v45, v8;
	v56 =	vperm.xlane v45, v9;
	v44 =	vld [tilespmem:s15+$0x70];
	[tilespmem:s15+$0x110] =	vst v42  }
0x91: {  	v55 =	vperm.xlane v45, v10;
	v54 =	vperm.xlane v45, v52;
	[tilespmem:s15+$0xFFFFFFF0] =	vst v43;
	v43 =	vld [tilespmem:s15+$0xE0];
	v6 =	vimm.s32 $0x6  }
0x92: {  	s19 =	simm.s32 $0x0;
	s23 =	simm.s32 $0x600;
	[tilespmem:s15+$0x80] =	vst v45;
	v52 =	vperm.xlane v45, v7;
	v53 =	vperm.xlane v45, v6;
	v45 =	vld [tilespmem:s15+$0xF0]  }
.LBB2_5:
0x93: {  	v6 =	vld [tilespmem:s23+$0x110];
	v7 =	vperm.xlane v42, v10;
	v8 =	vimm.s32 $0x5;
	s18 =	sadd.s32 $0x40, s18;
	v4 =	vmul.f32 v14, v4  }
0x94: {  	v10 =	vimm.s32 $0x6;
	v8 =	vperm.xlane v42, v8;
	v9 =	vld [tilespmem:s18+$0x10];
	v1 =	vmul.f32 v15, v1  }
0x95: {  	v42 =	vperm.xlane v42, v10;
	v10 =	vld [tilespmem:s18+$0xFFFFFFE0];
	v5 =	vmul.f32 v16, v5;
	[tilespmem:s15+$0xFFFFFEE0] =	vst v4  }
0x96: {  	v16 =	vld [tilespmem:s23+$0xFFFFFFF0];
	v0 =	vmul.f32 v17, v0;
	[tilespmem:s15+$0xFFFFFEF0] =	vst v1  }
0x97: {  	v3 =	vmul.f32 v18, v3;
	v18 =	vld [tilespmem:s23+$0x80];
	[tilespmem:s15+$0xFFFFFF00] =	vst v5  }
0x98: {  	v2 =	vmul.f32 v20, v2;
	v20 =	vld [tilespmem:s18+$0x0];
	[tilespmem:s15+$0xFFFFFF10] =	vst v0  }
0x99: {  	v4 =	vld [tilespmem:s18+$0xFFFFFFF0];
	v1 =	vmul.f32 v19, v63;
	[tilespmem:s15+$0xFFFFFF20] =	vst v3  }
0x9a: {  	v5 =	vmul.f32 v21, v62;
	v21 =	vld [tilespmem:s23+$0xFFFFFF60];
	[tilespmem:s15+$0xFFFFFF40] =	vst v2  }
0x9b: {  	v19 =	vmul.f32 v22, v51;
	v6 =	vadd.f32 v9, v6;
	[tilespmem:s15+$0xFFFFFF30] =	vst v1  }
0x9c: {  	v0 =	vmul.f32 v23, v48;
	v14 =	vld [tilespmem:s23+$0xFFFFFEE0];
	[tilespmem:s15+$0xFFFFFF50] =	vst v5  }
0x9d: {  	v9 =	vmul.f32 v24, v49;
	v15 =	vld [tilespmem:s23+$0xFFFFFEF0];
	v17 =	vmul.f32 $2.000000030e-01, v6;
	[tilespmem:s15+$0xFFFFFF70] =	vst v19  }
0x9e: {  	v7 =	vmul.f32 v41, v7;
	v3 =	vmul.f32 v25, v46;
	[tilespmem:s15+$0xFFFFFF80] =	vst v0;
	v24 =	vadd.f32 v20, v18;
	v18 =	vld [tilespmem:s23+$0xFFFFFF20]  }
0x9f: {  	v22 =	vmul.f32 v26, v50;
	[tilespmem:s15+$0xFFFFFF90] =	vst v9;
	v19 =	vld [tilespmem:s23+$0xFFFFFF30];
	v6 =	vmax.f32 v6, v17;
	v4 =	vadd.f32 v4, v16  }
0xa0: {  	v8 =	vmul.f32 v43, v8;
	v2 =	vmul.f32 v28, v61;
	[tilespmem:s15+$0xFFFFFFA0] =	vst v3;
	v20 =	vld [tilespmem:s23+$0xFFFFFF40];
	v6 =	vsub.f32 v6, v11  }
0xa1: {  	v0 =	vmul.f32 v30, v57;
	[tilespmem:s15+$0xFFFFFFB0] =	vst v22;
	v22 =	vld [tilespmem:s23+$0xFFFFFF70];
	v23 =	vmul.f32 $2.000000030e-01, v4  }
0xa2: {  	v25 =	vmul.f32 v31, v59;
	v17 =	vld [tilespmem:s23+$0xFFFFFF10];
	v6 =	vmul.f32 $1.442695020e+00, v6  }
0xa3: {  	v1 =	vmul.f32 v27, v47;
	[tilespmem:s15+$0x20] =	vst v0;
	v0 =	vld [tilespmem:$0x1FFC0];
	v10 =	vadd.f32 v10, v21;
	v4 =	vmax.f32 v4, v23  }
0xa4: {  	[tilespmem:s15+$0xFFFFFFD0] =	vst v2;
	v16 =	vld [tilespmem:s23+$0xFFFFFF00];
	v23 =	vmul.f32 $2.000000030e-01, v24;
	(erf) = vpow2.f32 v6;
	v4 =	vsub.f32 v4, v11  }
0xa5: {  	v28 =	vmul.f32 v40, v56;
	[tilespmem:s15+$0xFFFFFFC0] =	vst v1;
	v21 =	vld [tilespmem:s23+$0xFFFFFF50];
	v9 =	vmul.f32 $2.000000030e-01, v10  }
0xa6: {  	v27 =	vmul.f32 v34, v58;
	[tilespmem:s15+$0xFFFFFFE0] =	vst v25;
	v25 =	vld [tilespmem:s23+$0xFFFFFFA0];
	v23 =	vmax.f32 v24, v23;
	v4 =	vmul.f32 $1.442695020e+00, v4  }
0xa7: {  	v5 =	vmul.f32 v29, v60;
	[tilespmem:s15+$0x30] =	vst v28;
	v26 =	vld [tilespmem:s23+$0xFFFFFFB0];
	v9 =	vmax.f32 v10, v9;
	v10 =	vsub.f32 v23, v11  }
0xa8: {  	v3 =	vmul.f32 v35, v55;
	[tilespmem:s15+$0x10] =	vst v27;
	v27 =	vld [tilespmem:s23+$0xFFFFFFC0];
	v1 =	vsub.f32 v9, v11;
	(erf) = vpow2.f32 v4  }
0xa9: {  	v2 =	vmul.f32 v36, v53;
	[tilespmem:s15+$0x0] =	vst v5;
	v28 =	vld [tilespmem:s23+$0xFFFFFFD0];
	v10 =	vmul.f32 $1.442695020e+00, v10  }
0xaa: {  	v5 =	vmul.f32 v33, v13;
	[tilespmem:s15+$0x40] =	vst v3;
	v31 =	vld [tilespmem:s23+$0xFFFFFFE0];
	v1 =	vmul.f32 $1.442695020e+00, v1  }
0xab: {  	v41 =	vimm.s32 $0x0;
	[tilespmem:s15+$0x60] =	vst v2;
	v6 =	vmul.f32 v37, v54;
	(erf) = vpow2.f32 v10;
	v10 =	vld [tilespmem:$0x1FFD0]  }
0xac: {  	v43 =	vimm.s32 $0x1;
	[tilespmem:s15+$0xA0] =	vst v5;
	v0 =	vmul.f32 v38, v0;
	(erf) = vpow2.f32 v1;
	v1 =	vld [tilespmem:s23+$0x100]  }
0xad: {  	v58 =	vmul.f32 v45, v42;
	v29 =	vld [tilespmem:s23+$0x0];
	v9 =	vmul.f32 v44, v52;
	v52 =	vimm.s32 $0x2;
	[tilespmem:s15+$0x50] =	vst v6;
	v42 =	vpop (erf)  }
0xae: {  	v45 =	vimm.s32 $0x7;
	v34 =	vld [tilespmem:s23+$0x10];
	[tilespmem:s15+$0xB0] =	vst v0;
	v4 =	vmul.f32 v32, v12;
	v2 =	vperm.xlane v42, v52  }
0xaf: {  	v53 =	vimm.s32 $0x3;
	v24 =	vld [tilespmem:s23+$0xFFFFFF90];
	[tilespmem:s15+$0x70] =	vst v9;
	v12 =	vperm.xlane v42, v41;
	v3 =	vperm.xlane v42, v45  }
0xb0: {  	v23 =	vld [tilespmem:s23+$0xFFFFFF80];
	v13 =	vperm.xlane v42, v43;
	[tilespmem:$0x1FFC0] =	vst v2;
	v2 =	vperm.xlane v42, v53  }
0xb1: {  	v30 =	vld [tilespmem:s23+$0x20];
	[tilespmem:s15+$0x90] =	vst v4;
	v10 =	vmul.f32 v39, v10;
	v1 =	vmul.f32 v1, v3;
	v6 =	vpop (erf)  }
0xb2: {  	v40 =	vld [tilespmem:s23+$0x30];
	[tilespmem:$0x1FFD0] =	vst v2;
	v2 =	vimm.s32 $0x5;
	v51 =	vperm.xlane v6, v41;
	v48 =	vperm.xlane v6, v43  }
0xb3: {  	v35 =	vld [tilespmem:s23+$0x40];
	v49 =	vperm.xlane v6, v52;
	v46 =	vperm.xlane v6, v53;
	[tilespmem:s23+$0x100] =	vst v1;
	v1 =	vimm.s32 $0x4  }
0xb4: {  	v37 =	vld [tilespmem:s23+$0x50];
	v47 =	vperm.xlane v6, v2;
	v9 =	vpop (erf);
	v50 =	vperm.xlane v6, v1;
	[tilespmem:s15+$0xD0] =	vst v7;
	v7 =	vimm.s32 $0x6  }
0xb5: {  	v36 =	vld [tilespmem:s23+$0x60];
	[tilespmem:s15+$0xC0] =	vst v10;
	v61 =	vperm.xlane v6, v7;
	v60 =	vperm.xlane v9, v41  }
0xb6: {  	v44 =	vld [tilespmem:s23+$0x70];
	v10 =	vimm.s32 $0x4;
	[tilespmem:s15+$0xF0] =	vst v58;
	v58 =	vperm.xlane v9, v43;
	v57 =	vperm.xlane v9, v52  }
0xb7: {  	s19 =	sadd.s32 $0x4, s19;
	v54 =	vimm.s32 $0x5;
	v32 =	vld [tilespmem:s23+$0x90];
	v59 =	vpop (erf);
	v56 =	vperm.xlane v9, v53;
	v55 =	vperm.xlane v9, v10  }
0xb8: {  	p0 =	slt.u32 s19, $0x6C;
	[tilespmem:s15+$0xE0] =	vst v8;
	v33 =	vld [tilespmem:s23+$0xA0];
	v54 =	vperm.xlane v9, v54;
	v4 =	vperm.xlane v59, v41  }
.Ltmp3:
0xb9: {  	v38 =	vld [tilespmem:s23+$0xB0];
	v1 =	vperm.xlane v59, v43;
	v5 =	vperm.xlane v59, v52;
	(pc) =	sbr.rel @p0 .LBB2_5-.Ltmp3, $4  }
0xba: {  	[tilespmem:s23+$0xFFFFFFF0] =	vst v6;
	v39 =	vld [tilespmem:s23+$0xC0];
	v0 =	vperm.xlane v59, v53;
	v3 =	vperm.xlane v59, v10  }
0xbb: {  	v8 =	vimm.s32 $0x6;
	[tilespmem:s23+$0x110] =	vst v42;
	v63 =	vperm.xlane v59, v2;
	v2 =	vperm.xlane v59, v7;
	v41 =	vld [tilespmem:s23+$0xD0]  }
0xbc: {  	s15 =	smov.u32 s23;
	v62 =	vperm.xlane v59, v45;
	[tilespmem:s23+$0xFFFFFF60] =	vst v59;
	v59 =	vperm.xlane v6, v45;
	v7 =	vimm.s32 $0x5;
	v43 =	vld [tilespmem:s23+$0xE0]  }
0xbd: {  	[tilespmem:s23+$0x80] =	vst v9;
	v6 =	vimm.s32 $0x6;
	v53 =	vperm.xlane v9, v8;
	v52 =	vperm.xlane v9, v45;
	v45 =	vld [tilespmem:s15+$0xF0];
	s23 =	sadd.s32 $0x240, s23  }
0xbe: {  	v4 =	vmul.f32 v14, v4  }
0xbf: {  	v1 =	vmul.f32 v15, v1  }
0xc0: {  	v5 =	vmul.f32 v16, v5;
	[tilespmem:s15+$0xFFFFFEE0] =	vst v4  }
0xc1: {  	v0 =	vmul.f32 v17, v0;
	[tilespmem:s15+$0xFFFFFEF0] =	vst v1  }
0xc2: {  	v1 =	vmul.f32 v18, v3;
	[tilespmem:s15+$0xFFFFFF00] =	vst v5  }
0xc3: {  	v3 =	vmul.f32 v19, v63;
	[tilespmem:s15+$0xFFFFFF10] =	vst v0  }
0xc4: {  	v0 =	vmul.f32 v20, v2;
	[tilespmem:s15+$0xFFFFFF20] =	vst v1  }
0xc5: {  	v2 =	vmul.f32 v22, v51;
	[tilespmem:s15+$0xFFFFFF30] =	vst v3  }
0xc6: {  	v1 =	vmul.f32 v21, v62;
	[tilespmem:s15+$0xFFFFFF40] =	vst v0  }
0xc7: {  	v0 =	vmul.f32 v23, v48;
	[tilespmem:s15+$0xFFFFFF70] =	vst v2  }
0xc8: {  	v2 =	vmul.f32 v25, v46;
	[tilespmem:s15+$0xFFFFFF50] =	vst v1  }
0xc9: {  	v1 =	vmul.f32 v24, v49;
	[tilespmem:s15+$0xFFFFFF80] =	vst v0  }
0xca: {  	v0 =	vmul.f32 v26, v50;
	[tilespmem:s15+$0xFFFFFFA0] =	vst v2  }
0xcb: {  	v2 =	vmul.f32 v28, v61;
	[tilespmem:s15+$0xFFFFFF90] =	vst v1  }
0xcc: {  	v1 =	vmul.f32 v27, v47;
	[tilespmem:s15+$0xFFFFFFB0] =	vst v0  }
0xcd: {  	v0 =	vmul.f32 v31, v59;
	[tilespmem:s15+$0xFFFFFFD0] =	vst v2  }
0xce: {  	v2 =	vmul.f32 v34, v58;
	[tilespmem:s15+$0xFFFFFFC0] =	vst v1  }
0xcf: {  	v1 =	vmul.f32 v29, v60;
	[tilespmem:s15+$0xFFFFFFE0] =	vst v0  }
0xd0: {  	v0 =	vmul.f32 v30, v57;
	[tilespmem:s15+$0x10] =	vst v2  }
0xd1: {  	v2 =	vmul.f32 v35, v55;
	[tilespmem:s15+$0x0] =	vst v1  }
0xd2: {  	v1 =	vmul.f32 v40, v56;
	[tilespmem:s15+$0x20] =	vst v0  }
0xd3: {  	v0 =	vmul.f32 v37, v54;
	[tilespmem:s15+$0x40] =	vst v2  }
0xd4: {  	v2 =	vmul.f32 v44, v52;
	[tilespmem:s15+$0x30] =	vst v1  }
0xd5: {  	v1 =	vmul.f32 v36, v53;
	[tilespmem:s15+$0x50] =	vst v0  }
0xd6: {  	[tilespmem:s15+$0x70] =	vst v2  }
0xd7: {  	[tilespmem:s15+$0x60] =	vst v1  }
0xd8: {  	v0 =	vmul.f32 v32, v12;
	v2 =	vld [tilespmem:$0x1FFC0];
	_ =	sdelay $0x1  }
0xd9: {  	[tilespmem:s15+$0x90] =	vst v0  }
0xda: {  	v1 =	vmul.f32 v33, v13;
	v3 =	vld [tilespmem:$0x1FFD0]  }
0xdb: {  	v0 =	vperm.xlane v42, v10  }
0xdc: {  	[tilespmem:s15+$0xA0] =	vst v1;
	v1 =	vperm.xlane v42, v7;
	v2 =	vmul.f32 v38, v2  }
0xdd: {  	v0 =	vmul.f32 v41, v0  }
0xde: {  	v1 =	vmul.f32 v43, v1;
	[tilespmem:s15+$0xB0] =	vst v2;
	v2 =	vperm.xlane v42, v6  }
0xdf: {  	[tilespmem:s15+$0xD0] =	vst v0;
	v3 =	vmul.f32 v39, v3  }
0xe0: {  	p0 =	seq.s32 s13, $0x59;
	[tilespmem:s15+$0xE0] =	vst v1;
	v2 =	vmul.f32 v45, v2  }
0xe1: {  	s18 =	sadd.s32 @!p0 s16, s14;
	[tilespmem:s15+$0xC0] =	vst v3  }
0xe2: {  	[tilespmem:s15+$0xF0] =	vst v2;
	s15 =	smul.u32 @!p0 $0x70, s18  }
0xe3: {  	[spmem:s2] =	stream.indirect.scatter.add.f32 [tilespmem:s28], [sflag:$0x5], $0x90, s22, s24, $0xb8;
	[tilespmem:$0x1F230] =	vst v63  }
0xe4: {  	s15 =	sadd.s32 @!p0 s8, s15  }
0xe5: {  	s15 =	sshrl.u32 @!p0 s15, $0x3  }
0xe6: {  	s19 =	simm.s32 @!p0 $0x0;
	s18 =	sadd.s32 @!p0 s1, s15  }
0xe7: {  	[tilespmem:s19], [sflag:$0x1] =	stream.linear.gather @!p0 [hbm4b:s18+s19], $0x70, $0x38;
	[tilespmem:$0x1F230] =	vst v63  }
0xe8: {  	s15 =	sadd.s32 @!p0 s7, s15;
	s18 =	simm.s32 @!p0 $0xE0  }
0xe9: {  	[tilespmem:s18], [sflag:$0x1] =	stream.linear.gather @!p0 [hbm4b:s15+s19], $0x70, $0x38;
	[tilespmem:$0x1F230] =	vst v63  }
0xea: {  	s15 =	simm.s32 @!p0 $0x5  }
0xeb: {  	_ =	swait.ge @!p0 [sflag:s15], $0x3F00  }
0xec: {  	[sflag:s15] =	ssyncset.done @!p0 $0x0  }
0xed: {  	[sflag:s15] =	ssyncadd.s32 @!p0 $0xFFFFC100;
	s15 =	simm.s32 @!p0 $0x1  }
0xee: {  	_ =	swait.ge @!p0 [sflag:s15], $0x70  }
0xef: {  	[sflag:s15] =	ssyncset.done @!p0 $0x0  }
0xf0: {  	[sflag:s15] =	ssyncadd.s32 @!p0 $0xFFFFFF90  }
0xf1: {  	_ =	swait.ge @!p0 [sflag:s15], $0x70  }
0xf2: {  	[sflag:s15] =	ssyncset.done @!p0 $0x0  }
0xf3: {  	s23 =	simm.s32 @!p0 $0x2A0;
	[sflag:s15] =	ssyncadd.s32 @!p0 $0xFFFFFF90;
	s15 =	simm.s32 @!p0 $0x70  }
0xf4: {  	[tilespmem:s23], [sflag:$0x3] =	stream.indirect.gather @!p0 [hbm4b:s5+s15], $0x90, s19, s15, $0xb8;
	[tilespmem:$0x1F230] =	vst v63  }
0xf5: {  	s19 =	simm.s32 @!p0 $0x80A0  }
0xf6: {  	[tilespmem:s19], [sflag:$0x3] =	stream.indirect.gather @!p0 [hbm4b:s6+s15], $0x10, s18, s15, $0xb8;
	[tilespmem:$0x1F230] =	vst v63  }
0xf7: {  	_ =	swait.ge [sflag:s29], $0x3F00  }
0xf8: {  	[sflag:s29] =	ssyncset.done $0x0  }
0xf9: {  	[sflag:s29] =	ssyncadd.s32 $0xFFFFC100  }
0xfa: {  	_ =	swait.ge [sflag:s29], $0x700  }
0xfb: {  	[sflag:s29] =	ssyncset.done $0x0  }
0xfc: {  	s23 =	simm.s32 $0x160;
	v3 =	vld [tilespmem:$0x1FFF0];
	[sflag:s29] =	ssyncadd.s32 $0xFFFFF900  }
0xfd: {  	v0 =	vld [tilespmem:s23+$0xFFFFFFF0]  }
0xfe: {  	v1 =	vld [tilespmem:s23+$0x0];
	_ =	sdelay $0x3  }
0xff: {  	s15 =	simm.s32 $0x240;
	s18 =	simm.s32 $0x180;
	v0 =	vsub.s32 v0, v3  }
0x100: {  	v9 =	vimm.s32 $0x5;
	v39 =	vimm.s32 $0x6;
	s19 =	simm.s32 $0x20;
	v1 =	vsub.s32 v1, v3;
	[tilespmem:s15+$0xFFFFFFF0] =	vst v0;
	v0 =	vld [tilespmem:s18+$0xFFFFFFF0]  }
.LBB2_7:
0x101: {  	s19 =	sadd.s32 $0x20, s19  }
0x102: {  	v2 =	vld [tilespmem:s18+$0x0];
	[tilespmem:s15+$0x0] =	vst v1;
	s15 =	sadd.s32 $0x20, s15;
	p1 =	slt.u32 s19, $0x40  }
.Ltmp4:
0x103: {  	(pc) =	sbr.rel @p1 .LBB2_7-.Ltmp4, $3  }
0x104: {  	_ =	sdelay $0x1  }
0x105: {  	s18 =	sadd.s32 $0x20, s18;
	v1 =	vsub.s32 v0, v3  }
0x106: {  	v0 =	vld [tilespmem:s18+$0xFFFFFFF0];
	[tilespmem:s15+$0xFFFFFFF0] =	vst v1;
	v1 =	vsub.s32 v2, v3  }
0x107: {  	v2 =	vld [tilespmem:s18+$0x0];
	_ =	sdelay $0x3  }
0x108: {  	[tilespmem:s15+$0x0] =	vst v1;
	s23 =	sadd.s32 $0x20, s15;
	v0 =	vsub.s32 v0, v3  }
0x109: {  	[tilespmem:s23+$0xFFFFFFF0] =	vst v0;
	v0 =	vsub.s32 v2, v3  }
0x10a: {  	[tilespmem:s23+$0x0] =	vst v0  }
0x10b: {  	v0 =	vld [tilespmem:$0x1B0];
	_ =	sdelay $0x4  }
0x10c: {  	v0 =	vsub.s32 v0, v3  }
0x10d: {  	s15 =	simm.s32 $0x42C0;
	[tilespmem:$0x290] =	vst v0  }
0x10e: {  	s18 =	simm.s32 $0x87C0;
	v0 =	vld [tilespmem:s15+$0x110]  }
0x10f: {  	v1 =	vld [tilespmem:s18+$0x10]  }
0x110: {  	v5 =	vld [tilespmem:s15+$0x80]  }
0x111: {  	v6 =	vld [tilespmem:s18+$0x0];
	_ =	sdelay $0x1  }
0x112: {  	v3 =	vld [tilespmem:s15+$0xFFFFFFF0]  }
0x113: {  	v4 =	vld [tilespmem:s18+$0xFFFFFFF0]  }
0x114: {  	v2 =	vld [tilespmem:s18+$0xFFFFFFE0]  }
0x115: {  	v0 =	vadd.f32 v1, v0;
	v5 =	vadd.f32 v6, v5;
	v6 =	vld [tilespmem:$0x1FFE0]  }
0x116: {  	v1 =	vld [tilespmem:s15+$0xFFFFFF60]  }
0x117: {  	v14 =	vld [tilespmem:s15+$0xFFFFFEE0];
	v7 =	vmul.f32 $2.000000030e-01, v0  }
0x118: {  	v15 =	vld [tilespmem:s15+$0xFFFFFEF0];
	v3 =	vadd.f32 v4, v3  }
0x119: {  	v16 =	vld [tilespmem:s15+$0xFFFFFF00];
	v0 =	vmax.f32 v0, v7  }
0x11a: {  	v17 =	vld [tilespmem:s15+$0xFFFFFF10];
	v4 =	vmul.f32 $2.000000030e-01, v3;
	v0 =	vsub.f32 v0, v6  }
0x11b: {  	v18 =	vld [tilespmem:s15+$0xFFFFFF20];
	v1 =	vadd.f32 v2, v1  }
0x11c: {  	v19 =	vld [tilespmem:s15+$0xFFFFFF30];
	v2 =	vmax.f32 v3, v4;
	v0 =	vmul.f32 $1.442695020e+00, v0  }
0x11d: {  	v20 =	vld [tilespmem:s15+$0xFFFFFF40];
	v3 =	vmul.f32 $2.000000030e-01, v5;
	v2 =	vsub.f32 v2, v6;
	v4 =	vmul.f32 $2.000000030e-01, v1  }
0x11e: {  	v21 =	vld [tilespmem:s15+$0xFFFFFF50];
	(erf) = vpow2.f32 v0  }
0x11f: {  	v22 =	vld [tilespmem:s15+$0xFFFFFF70];
	v3 =	vmax.f32 v5, v3;
	v0 =	vmax.f32 v1, v4;
	v1 =	vmul.f32 $1.442695020e+00, v2  }
0x120: {  	v23 =	vld [tilespmem:s15+$0xFFFFFF80];
	v2 =	vsub.f32 v3, v6  }
0x121: {  	v24 =	vld [tilespmem:s15+$0xFFFFFF90];
	v0 =	vsub.f32 v0, v6;
	(erf) = vpow2.f32 v1  }
0x122: {  	v25 =	vld [tilespmem:s15+$0xFFFFFFA0];
	v2 =	vmul.f32 $1.442695020e+00, v2  }
0x123: {  	v26 =	vld [tilespmem:s15+$0xFFFFFFB0];
	v0 =	vmul.f32 $1.442695020e+00, v0  }
0x124: {  	v27 =	vld [tilespmem:s15+$0xFFFFFFC0];
	(erf) = vpow2.f32 v2  }
0x125: {  	(erf) = vpow2.f32 v0;
	v0 =	vld [tilespmem:s15+$0x100]  }
0x126: {  	v28 =	vld [tilespmem:s15+$0xFFFFFFD0]  }
0x127: {  	v41 =	vimm.s32 $0x0;
	v45 =	vimm.s32 $0x7;
	v53 =	vimm.s32 $0x3;
	v31 =	vld [tilespmem:s15+$0xFFFFFFE0];
	v42 =	vpop (erf)  }
0x128: {  	v43 =	vimm.s32 $0x1;
	v29 =	vld [tilespmem:s15+$0x0];
	v1 =	vperm.xlane v42, v45;
	v2 =	vperm.xlane v42, v53  }
0x129: {  	v52 =	vimm.s32 $0x2;
	v34 =	vld [tilespmem:s15+$0x10];
	v12 =	vperm.xlane v42, v41;
	v13 =	vperm.xlane v42, v43  }
0x12a: {  	v30 =	vld [tilespmem:s15+$0x20];
	v11 =	vperm.xlane v42, v52;
	v6 =	vpop (erf);
	[tilespmem:$0x1FFB0] =	vst v2;
	v0 =	vmul.f32 v0, v1  }
0x12b: {  	v51 =	vperm.xlane v6, v41;
	v48 =	vperm.xlane v6, v43;
	v40 =	vld [tilespmem:s15+$0x30]  }
0x12c: {  	v49 =	vperm.xlane v6, v52;
	v46 =	vperm.xlane v6, v53;
	v35 =	vld [tilespmem:s15+$0x40]  }
0x12d: {  	v50 =	vperm.xlane v6, v10;
	v47 =	vperm.xlane v6, v9;
	v37 =	vld [tilespmem:s15+$0x50]  }
0x12e: {  	v61 =	vperm.xlane v6, v39;
	v59 =	vperm.xlane v6, v45;
	v7 =	vpop (erf);
	v36 =	vld [tilespmem:s15+$0x60]  }
0x12f: {  	v32 =	vld [tilespmem:s15+$0x90];
	v60 =	vperm.xlane v7, v41;
	v58 =	vperm.xlane v7, v43  }
0x130: {  	v33 =	vld [tilespmem:s15+$0xA0];
	v57 =	vperm.xlane v7, v52;
	v56 =	vperm.xlane v7, v53  }
0x131: {  	v38 =	vld [tilespmem:s15+$0xB0];
	v8 =	vpop (erf);
	v55 =	vperm.xlane v7, v10;
	v54 =	vperm.xlane v7, v9  }
0x132: {  	v44 =	vld [tilespmem:s15+$0x70];
	[tilespmem:s15+$0x100] =	vst v0;
	v4 =	vperm.xlane v8, v41;
	v0 =	vperm.xlane v8, v43  }
0x133: {  	[tilespmem:s15+$0x110] =	vst v42;
	v5 =	vperm.xlane v8, v52;
	v2 =	vperm.xlane v8, v39;
	v39 =	vld [tilespmem:s15+$0xC0]  }
0x134: {  	[tilespmem:s15+$0xFFFFFFF0] =	vst v6;
	v1 =	vperm.xlane v8, v53;
	v3 =	vperm.xlane v8, v10;
	v41 =	vld [tilespmem:s15+$0xD0]  }
0x135: {  	v6 =	vimm.s32 $0x6;
	[tilespmem:s15+$0x80] =	vst v7;
	v63 =	vperm.xlane v8, v9;
	v62 =	vperm.xlane v8, v45;
	v43 =	vld [tilespmem:s15+$0xE0]  }
0x136: {  	s19 =	simm.s32 $0x0;
	s23 =	simm.s32 $0x4500;
	[tilespmem:s15+$0xFFFFFF60] =	vst v8;
	v53 =	vperm.xlane v7, v6;
	v52 =	vperm.xlane v7, v45;
	v45 =	vld [tilespmem:s15+$0xF0]  }
.LBB2_9:
0x137: {  	v6 =	vld [tilespmem:s23+$0x110];
	v7 =	vperm.xlane v42, v10;
	v8 =	vimm.s32 $0x5;
	s18 =	sadd.s32 $0x40, s18  }
0x138: {  	v10 =	vimm.s32 $0x6;
	v8 =	vperm.xlane v42, v8;
	v9 =	vld [tilespmem:s18+$0x10];
	v4 =	vmul.f32 v14, v4  }
0x139: {  	v42 =	vperm.xlane v42, v10;
	v10 =	vld [tilespmem:s18+$0xFFFFFFE0];
	v0 =	vmul.f32 v15, v0  }
0x13a: {  	v5 =	vmul.f32 v16, v5;
	v16 =	vld [tilespmem:s23+$0xFFFFFFF0];
	[tilespmem:s15+$0xFFFFFEE0] =	vst v4  }
0x13b: {  	v1 =	vmul.f32 v17, v1;
	v3 =	vmul.f32 v18, v3;
	v18 =	vld [tilespmem:s23+$0x80];
	[tilespmem:s15+$0xFFFFFEF0] =	vst v0  }
0x13c: {  	v2 =	vmul.f32 v20, v2;
	v20 =	vld [tilespmem:s18+$0x0];
	[tilespmem:s15+$0xFFFFFF00] =	vst v5  }
0x13d: {  	v4 =	vld [tilespmem:s18+$0xFFFFFFF0];
	[tilespmem:s15+$0xFFFFFF10] =	vst v1  }
0x13e: {  	v0 =	vmul.f32 v19, v63;
	v5 =	vmul.f32 v21, v62;
	v21 =	vld [tilespmem:s23+$0xFFFFFF60];
	[tilespmem:s15+$0xFFFFFF20] =	vst v3  }
0x13f: {  	v19 =	vmul.f32 v22, v51;
	v6 =	vadd.f32 v9, v6;
	v22 =	vmul.f32 v26, v50;
	[tilespmem:s15+$0xFFFFFF40] =	vst v2;
	v26 =	vld [tilespmem:$0x1FFE0]  }
0x140: {  	v7 =	vmul.f32 v41, v7;
	[tilespmem:s15+$0xFFFFFF30] =	vst v0  }
0x141: {  	v1 =	vmul.f32 v23, v48;
	v14 =	vld [tilespmem:s23+$0xFFFFFEE0];
	v17 =	vmul.f32 $2.000000030e-01, v6;
	[tilespmem:s15+$0xFFFFFF50] =	vst v5  }
0x142: {  	v9 =	vmul.f32 v24, v49;
	v3 =	vmul.f32 v25, v46;
	v15 =	vld [tilespmem:s23+$0xFFFFFEF0];
	[tilespmem:s15+$0xFFFFFF70] =	vst v19  }
0x143: {  	[tilespmem:s15+$0xFFFFFF80] =	vst v1;
	v24 =	vadd.f32 v20, v18;
	v18 =	vld [tilespmem:s23+$0xFFFFFF20];
	v6 =	vmax.f32 v6, v17;
	v4 =	vadd.f32 v4, v16  }
0x144: {  	v8 =	vmul.f32 v43, v8;
	v2 =	vmul.f32 v28, v61;
	[tilespmem:s15+$0xFFFFFF90] =	vst v9;
	v19 =	vld [tilespmem:s23+$0xFFFFFF30];
	v6 =	vsub.f32 v6, v26  }
0x145: {  	v25 =	vmul.f32 v31, v59;
	[tilespmem:s15+$0xFFFFFFA0] =	vst v3;
	v20 =	vld [tilespmem:s23+$0xFFFFFF40];
	v23 =	vmul.f32 $2.000000030e-01, v4  }
0x146: {  	v1 =	vmul.f32 v30, v57;
	[tilespmem:s15+$0xFFFFFFB0] =	vst v22;
	v22 =	vld [tilespmem:s23+$0xFFFFFF70];
	v6 =	vmul.f32 $1.442695020e+00, v6  }
0x147: {  	v0 =	vmul.f32 v27, v47;
	v17 =	vld [tilespmem:s23+$0xFFFFFF10];
	v10 =	vadd.f32 v10, v21;
	v4 =	vmax.f32 v4, v23  }
0x148: {  	[tilespmem:s15+$0x20] =	vst v1;
	v1 =	vld [tilespmem:s23+$0x100];
	v23 =	vmul.f32 $2.000000030e-01, v24;
	(erf) = vpow2.f32 v6;
	v4 =	vsub.f32 v4, v26  }
0x149: {  	v28 =	vmul.f32 v40, v56;
	[tilespmem:s15+$0xFFFFFFD0] =	vst v2;
	v16 =	vld [tilespmem:s23+$0xFFFFFF00];
	v9 =	vmul.f32 $2.000000030e-01, v10  }
0x14a: {  	v27 =	vmul.f32 v34, v58;
	[tilespmem:s15+$0xFFFFFFC0] =	vst v0;
	v21 =	vld [tilespmem:s23+$0xFFFFFF50];
	v23 =	vmax.f32 v24, v23;
	v4 =	vmul.f32 $1.442695020e+00, v4  }
0x14b: {  	v5 =	vmul.f32 v29, v60;
	[tilespmem:s15+$0xFFFFFFE0] =	vst v25;
	v25 =	vld [tilespmem:s23+$0xFFFFFFA0];
	v9 =	vmax.f32 v10, v9;
	v10 =	vsub.f32 v23, v26  }
0x14c: {  	v3 =	vmul.f32 v35, v55;
	[tilespmem:s15+$0x10] =	vst v27;
	v27 =	vld [tilespmem:s23+$0xFFFFFFC0];
	(erf) = vpow2.f32 v4  }
0x14d: {  	v2 =	vmul.f32 v36, v53;
	[tilespmem:s15+$0x30] =	vst v28;
	v28 =	vld [tilespmem:s23+$0xFFFFFFD0];
	v0 =	vsub.f32 v9, v26;
	v10 =	vmul.f32 $1.442695020e+00, v10  }
0x14e: {  	v58 =	vmul.f32 v45, v42;
	[tilespmem:s15+$0x0] =	vst v5;
	v5 =	vmul.f32 v33, v13;
	v31 =	vld [tilespmem:s23+$0xFFFFFFE0]  }
0x14f: {  	v41 =	vimm.s32 $0x0;
	[tilespmem:s15+$0x40] =	vst v3;
	v29 =	vld [tilespmem:s23+$0x0];
	v0 =	vmul.f32 $1.442695020e+00, v0;
	(erf) = vpow2.f32 v10  }
0x150: {  	v43 =	vimm.s32 $0x1;
	[tilespmem:s15+$0x60] =	vst v2;
	v6 =	vmul.f32 v37, v54;
	v9 =	vmul.f32 v44, v52;
	v10 =	vld [tilespmem:$0x1FFB0]  }
0x151: {  	v45 =	vimm.s32 $0x7;
	v34 =	vld [tilespmem:s23+$0x10];
	[tilespmem:s15+$0xA0] =	vst v5;
	v4 =	vmul.f32 v32, v12;
	(erf) = vpow2.f32 v0;
	v42 =	vpop (erf)  }
0x152: {  	v53 =	vimm.s32 $0x3;
	v24 =	vld [tilespmem:s23+$0xFFFFFF90];
	[tilespmem:s15+$0x50] =	vst v6;
	v0 =	vmul.f32 v38, v11;
	v12 =	vperm.xlane v42, v41  }
0x153: {  	v52 =	vimm.s32 $0x2;
	v23 =	vld [tilespmem:s23+$0xFFFFFF80];
	[tilespmem:s15+$0x70] =	vst v9;
	v3 =	vperm.xlane v42, v45;
	v13 =	vperm.xlane v42, v43  }
0x154: {  	v26 =	vld [tilespmem:s23+$0xFFFFFFB0];
	[tilespmem:s15+$0x90] =	vst v4;
	v11 =	vperm.xlane v42, v52;
	v2 =	vperm.xlane v42, v53  }
0x155: {  	v30 =	vld [tilespmem:s23+$0x20];
	[tilespmem:s15+$0xB0] =	vst v0;
	v10 =	vmul.f32 v39, v10;
	v1 =	vmul.f32 v1, v3;
	v6 =	vpop (erf)  }
0x156: {  	v40 =	vld [tilespmem:s23+$0x30];
	[tilespmem:$0x1FFB0] =	vst v2;
	v2 =	vimm.s32 $0x5;
	v51 =	vperm.xlane v6, v41;
	v48 =	vperm.xlane v6, v43  }
0x157: {  	v35 =	vld [tilespmem:s23+$0x40];
	[tilespmem:s23+$0x100] =	vst v1;
	v1 =	vimm.s32 $0x4;
	v49 =	vperm.xlane v6, v52;
	v46 =	vperm.xlane v6, v53  }
0x158: {  	v37 =	vld [tilespmem:s23+$0x50];
	v50 =	vperm.xlane v6, v1;
	v47 =	vperm.xlane v6, v2;
	[tilespmem:s15+$0xD0] =	vst v7;
	v7 =	vimm.s32 $0x6;
	v9 =	vpop (erf)  }
0x159: {  	v36 =	vld [tilespmem:s23+$0x60];
	[tilespmem:s15+$0xC0] =	vst v10;
	v61 =	vperm.xlane v6, v7;
	v60 =	vperm.xlane v9, v41  }
0x15a: {  	v44 =	vld [tilespmem:s23+$0x70];
	v10 =	vimm.s32 $0x4;
	[tilespmem:s15+$0xF0] =	vst v58;
	v58 =	vperm.xlane v9, v43;
	v57 =	vperm.xlane v9, v52  }
0x15b: {  	s19 =	sadd.s32 $0x4, s19;
	v54 =	vimm.s32 $0x5;
	v32 =	vld [tilespmem:s23+$0x90];
	v59 =	vpop (erf);
	v56 =	vperm.xlane v9, v53;
	v55 =	vperm.xlane v9, v10  }
0x15c: {  	p1 =	slt.u32 s19, $0x6C;
	[tilespmem:s15+$0xE0] =	vst v8;
	v33 =	vld [tilespmem:s23+$0xA0];
	v54 =	vperm.xlane v9, v54;
	v4 =	vperm.xlane v59, v41  }
.Ltmp5:
0x15d: {  	v38 =	vld [tilespmem:s23+$0xB0];
	v0 =	vperm.xlane v59, v43;
	v5 =	vperm.xlane v59, v52;
	(pc) =	sbr.rel @p1 .LBB2_9-.Ltmp5, $4  }
0x15e: {  	[tilespmem:s23+$0xFFFFFFF0] =	vst v6;
	v39 =	vld [tilespmem:s23+$0xC0];
	v1 =	vperm.xlane v59, v53;
	v3 =	vperm.xlane v59, v10  }
0x15f: {  	v8 =	vimm.s32 $0x6;
	[tilespmem:s23+$0x110] =	vst v42;
	v63 =	vperm.xlane v59, v2;
	v2 =	vperm.xlane v59, v7;
	v41 =	vld [tilespmem:s23+$0xD0]  }
0x160: {  	s15 =	smov.u32 s23;
	v62 =	vperm.xlane v59, v45;
	[tilespmem:s23+$0xFFFFFF60] =	vst v59;
	v59 =	vperm.xlane v6, v45;
	v7 =	vimm.s32 $0x5;
	v43 =	vld [tilespmem:s23+$0xE0]  }
0x161: {  	[tilespmem:s23+$0x80] =	vst v9;
	v6 =	vimm.s32 $0x6;
	v53 =	vperm.xlane v9, v8;
	v52 =	vperm.xlane v9, v45;
	v45 =	vld [tilespmem:s15+$0xF0];
	s23 =	sadd.s32 $0x240, s23  }
0x162: {  	v4 =	vmul.f32 v14, v4  }
0x163: {  	v0 =	vmul.f32 v15, v0  }
0x164: {  	v5 =	vmul.f32 v16, v5;
	[tilespmem:s15+$0xFFFFFEE0] =	vst v4  }
0x165: {  	v1 =	vmul.f32 v17, v1;
	[tilespmem:s15+$0xFFFFFEF0] =	vst v0  }
0x166: {  	v18 =	vmul.f32 v18, v3;
	[tilespmem:s15+$0xFFFFFF00] =	vst v5  }
0x167: {  	v19 =	vmul.f32 v19, v63;
	[tilespmem:s15+$0xFFFFFF10] =	vst v1  }
0x168: {  	v20 =	vmul.f32 v20, v2;
	[tilespmem:s15+$0xFFFFFF20] =	vst v18  }
0x169: {  	v21 =	vmul.f32 v21, v62;
	[tilespmem:s15+$0xFFFFFF30] =	vst v19  }
0x16a: {  	v22 =	vmul.f32 v22, v51;
	[tilespmem:s15+$0xFFFFFF40] =	vst v20  }
0x16b: {  	v23 =	vmul.f32 v23, v48;
	[tilespmem:s15+$0xFFFFFF50] =	vst v21  }
0x16c: {  	v24 =	vmul.f32 v24, v49;
	[tilespmem:s15+$0xFFFFFF70] =	vst v22  }
0x16d: {  	v25 =	vmul.f32 v25, v46;
	[tilespmem:s15+$0xFFFFFF80] =	vst v23  }
0x16e: {  	v26 =	vmul.f32 v26, v50;
	[tilespmem:s15+$0xFFFFFF90] =	vst v24  }
0x16f: {  	v27 =	vmul.f32 v27, v47;
	[tilespmem:s15+$0xFFFFFFA0] =	vst v25  }
0x170: {  	v28 =	vmul.f32 v28, v61;
	[tilespmem:s15+$0xFFFFFFB0] =	vst v26  }
0x171: {  	v46 =	vmul.f32 v31, v59;
	[tilespmem:s15+$0xFFFFFFC0] =	vst v27  }
0x172: {  	v47 =	vmul.f32 v29, v60;
	[tilespmem:s15+$0xFFFFFFD0] =	vst v28  }
0x173: {  	v48 =	vmul.f32 v34, v58;
	[tilespmem:s15+$0xFFFFFFE0] =	vst v46  }
0x174: {  	v49 =	vmul.f32 v30, v57;
	[tilespmem:s15+$0x0] =	vst v47  }
0x175: {  	v50 =	vmul.f32 v40, v56;
	[tilespmem:s15+$0x10] =	vst v48  }
0x176: {  	v51 =	vmul.f32 v35, v55;
	[tilespmem:s15+$0x20] =	vst v49  }
0x177: {  	v55 =	vmul.f32 v37, v54;
	[tilespmem:s15+$0x30] =	vst v50  }
0x178: {  	v58 =	vmul.f32 v32, v12;
	[tilespmem:s15+$0x40] =	vst v51  }
0x179: {  	v56 =	vmul.f32 v36, v53;
	[tilespmem:s15+$0x50] =	vst v55  }
0x17a: {  	v57 =	vmul.f32 v44, v52;
	[tilespmem:s15+$0x90] =	vst v58  }
0x17b: {  	[tilespmem:s15+$0x60] =	vst v56  }
0x17c: {  	[tilespmem:s15+$0x70] =	vst v57  }
0x17d: {  	v59 =	vmul.f32 v33, v13;
	v61 =	vperm.xlane v42, v10;
	v3 =	vld [tilespmem:$0x1FFB0]  }
0x17e: {  	v60 =	vmul.f32 v38, v11;
	v62 =	vperm.xlane v42, v7  }
0x17f: {  	v63 =	vperm.xlane v42, v6;
	v1 =	vmul.f32 v41, v61;
	[tilespmem:s15+$0xA0] =	vst v59  }
0x180: {  	v0 =	vmul.f32 v43, v62;
	[tilespmem:s15+$0xB0] =	vst v60  }
.Ltmp6:
0x181: {  	v2 =	vmul.f32 v45, v63;
	[tilespmem:s15+$0xD0] =	vst v1;
	(pc) =	sbr.rel @p0 .LBB2_12-.Ltmp6, $4  }
0x182: {  	[tilespmem:s15+$0xE0] =	vst v0;
	v3 =	vmul.f32 v39, v3  }
0x183: {  	[tilespmem:s15+$0xF0] =	vst v2  }
0x184: {  	[tilespmem:s15+$0xC0] =	vst v3  }
0x185: {  	v52 =	vimm.s32 $0x5;
	v39 =	vimm.s32 $0x6;
	[spmem:s2] =	stream.indirect.scatter.add.f32 [tilespmem:s31], [sflag:$0x6], $0x90, s9, s24, $0xb8;
	[tilespmem:$0x1F230] =	vst v63  }
0x186: {  	s14 =	sadd.s32 s17, s14  }
0x187: {  	s14 =	smul.u32 $0x70, s14;
	_ =	sdelay $0x1  }
0x188: {  	s14 =	sadd.s32 s8, s14  }
.Ltmp7:
0x189: {  	s14 =	sshrl.u32 s14, $0x3;
	(pc) =	sbr.rel .LBB2_2-.Ltmp7, $4  }
0x18a: {  	s15 =	sadd.s32 s1, s14  }
0x18b: {  	[tilespmem:s24], [sflag:$0x2] =	stream.linear.gather [hbm4b:s15+s4], $0x70, $0x38;
	[tilespmem:$0x1F230] =	vst v63  }
0x18c: {  	s13 =	sadd.s32 $0x1, s13;
	v3 =	vld [tilespmem:$0x1FFF0];
	v6 =	vimm.s32 $0x0;
	v44 =	vimm.s32 $0x1;
	s14 =	sadd.s32 s7, s14  }
0x18d: {  	v8 =	vimm.s32 $0x2;
	v9 =	vimm.s32 $0x3;
	v13 =	vimm.s32 $0x7;
	v12 =	vld [tilespmem:$0x1FFE0];
	[tilespmem:s25], [sflag:$0x2] =	stream.linear.gather [hbm4b:s14+s4], $0x70, $0x38  }
.LBB2_13:
0x18e: {  	_ =	sfence.sel $0x180000  }
0x18f: {  	[bflag:$0x0] =	sbarrier.arrive $0xFFFF  }
0x190: {  	_ =	strace $0x90000047  }
0x191: {  	s0 =	stileid.u32;
	[bflag:$0x2] =	sbarrier.arrive $0xFFFF  }
0x192: {  	p0 =	sne.s32 s0, $0x0;
	s0 =	rddreg [dreg:$0x3]  }
0x193: {  	s0 =	sadd.s32 @!p0 $0x100000, s0  }
0x194: {  	[sflag:s0] =	ssyncadd.tile.s32 @!p0 $0x1;
	_ =	shalt  }
.Lfunc_end2:
_tile_overlayer_lowered:
.L_overlay_start_2:
0x195: {  	(tag) =	ssettag $0x2  }
0x196: {  	s0 =	rddreg [dreg:$0x0];
	s2 =	stileid.u32  }
0x197: {  	s1 =	rddreg [dreg:$0x1];
	p0 =	sne.s32 s2, $0x0  }
0x198: {  	s3 =	rddreg [dreg:$0x2];
	[bflag:$0x3] =	sbarrier.arrive $0xFFFF;
	s2 =	simm.s32 @!p0 $0x1C07  }
0x199: {  	[timem:s3], [sflag:s2] =	dma.local @!p0 [hbm:s0], s1  }
0x19a: {  	s0 =	simm.s32 @!p0 $0x7  }
0x19b: {  	_ =	swait.ge @!p0 [sflag:s0], s1  }
0x19c: {  	s1 =	ssub.s32 @!p0 $0x0, s1;
	[sflag:s0] =	ssyncset.done @!p0 $0x0  }
0x19d: {  	[sflag:s0] =	ssyncadd.s32 @!p0 s1  }
0x19e: {  	[bflag:$0x3] =	sbarrier.arrive $0xFFFF  }
0x19f: {  	_ =	shalt  }

</sc_bundles>
